<compile_context>
chip_gen: v7x
topology: tpu7x:2x2x1
jax: 0.10.2.dev20260603
libtpu: 0.0.44.dev20260713+nightly
codegen_flags: <defaults>
</compile_context>

<pallas_src>
import functools

import jax
import jax.numpy as jnp
from jax import lax
from jax.experimental import pallas as pl
from jax.experimental.pallas import tpu as pltpu
from jax.experimental.pallas import tpu_sc as plsc

_NC = 2
_NS = 16
_NW = _NC * _NS
_CH = 128


def _sc_degree(dst2d, zeros16, n_acc):
    k = dst2d.shape[1]
    rows_sub = n_acc // _NS
    mesh = plsc.VectorSubcoreMesh(core_axis_name="c", subcore_axis_name="s")

    @functools.partial(
        pl.kernel,
        out_type=jax.ShapeDtypeStruct((_NC, n_acc, 16), jnp.float32),
        mesh=mesh,
        compiler_params=pltpu.CompilerParams(use_tc_tiling_on_sc=False),
        scratch_types=[
            pltpu.VMEM((k, _CH), jnp.int32),
            pltpu.VMEM((_CH, 16), jnp.float32),
            pltpu.VMEM_SHARED((n_acc, 16), jnp.float32),
        ],
    )
    def deg_kernel(dst_hbm, z_hbm, out_hbm, idx_v, ones_v, acc):
        cid = lax.axis_index("c")
        sid = lax.axis_index("s")
        wid = sid * _NC + cid

        @pl.loop(0, _CH)
        def _(i):
            ones_v[i, :] = jnp.full((16,), 1.0, jnp.float32)

        sub = pl.ds(sid * rows_sub, rows_sub)
        pltpu.sync_copy(z_hbm.at[sub], acc.at[sub])
        plsc.subcore_barrier()

        pltpu.sync_copy(dst_hbm.at[wid], idx_v)

        @pl.loop(0, k)
        def _(j):
            pltpu.sync_copy(ones_v, acc.at[idx_v.at[j]], add=True)

        plsc.subcore_barrier()
        pltpu.sync_copy(acc.at[sub], out_hbm.at[cid].at[sub])

    return deg_kernel(dst2d, zeros16)


def _sc_scatter(g, src2d, dst2d, n_acc):
    k = dst2d.shape[1]
    rows_sub = n_acc // _NS
    nz_full = rows_sub // _CH
    nz_tail = rows_sub - nz_full * _CH
    mesh = plsc.VectorSubcoreMesh(core_axis_name="c", subcore_axis_name="s")

    @functools.partial(
        pl.kernel,
        out_type=jax.ShapeDtypeStruct((_NC, n_acc, 128), jnp.float32),
        mesh=mesh,
        scratch_types=[
            pltpu.VMEM((k, _CH), jnp.int32),
            pltpu.VMEM((k, _CH), jnp.int32),
            pltpu.VMEM((_CH, 128), jnp.float32),
            pltpu.VMEM_SHARED((n_acc, 128), jnp.float32),
            pltpu.SemaphoreType.DMA,
            pltpu.SemaphoreType.DMA,
        ],
    )
    def scat_kernel(g_hbm, src_hbm, dst_hbm, out_hbm,
                    isrc_v, idst_v, rows_v, acc, sem, sem_z):
        cid = lax.axis_index("c")
        sid = lax.axis_index("s")
        wid = sid * _NC + cid

        @pl.loop(0, _CH)
        def _(i):
            for q in range(8):
                rows_v[i, pl.ds(q * 16, 16)] = jnp.zeros((16,), jnp.float32)

        base = sid * rows_sub
        for d in range(nz_full):
            pltpu.async_copy(rows_v, acc.at[pl.ds(base + d * _CH, _CH)],
                             sem_z)
        if nz_tail:
            pltpu.async_copy(
                rows_v.at[pl.ds(0, nz_tail)],
                acc.at[pl.ds(base + nz_full * _CH, nz_tail)], sem_z)
        pltpu.sync_copy(src_hbm.at[wid], isrc_v)
        pltpu.sync_copy(dst_hbm.at[wid], idst_v)
        for d in range(nz_full):
            pltpu.make_async_copy(rows_v,
                                  acc.at[pl.ds(base + d * _CH, _CH)],
                                  sem_z).wait()
        if nz_tail:
            pltpu.make_async_copy(
                rows_v.at[pl.ds(0, nz_tail)],
                acc.at[pl.ds(base + nz_full * _CH, nz_tail)], sem_z).wait()
        plsc.subcore_barrier()

        @pl.loop(0, k)
        def _(j):
            pltpu.async_copy(g_hbm.at[isrc_v.at[j]], rows_v, sem).wait()
            pltpu.sync_copy(rows_v, acc.at[idst_v.at[j]], add=True)

        plsc.subcore_barrier()
        sub = pl.ds(base, rows_sub)
        pltpu.sync_copy(acc.at[sub], out_hbm.at[cid].at[sub])

    return scat_kernel(g, src2d, dst2d)


def _tc_matmul(x, w):
    n = x.shape[0]
    blk = 1000

    def body(x_ref, w_ref, o_ref):
        o_ref[...] = jnp.dot(x_ref[...], w_ref[...],
                             preferred_element_type=jnp.float32)

    return pl.pallas_call(
        body,
        grid=(n // blk,),
        in_specs=[
            pl.BlockSpec((blk, x.shape[1]), lambda i: (i, 0)),
            pl.BlockSpec(w.shape, lambda i: (0, 0)),
        ],
        out_specs=pl.BlockSpec((blk, w.shape[1]), lambda i: (i, 0)),
        out_shape=jax.ShapeDtypeStruct((n, w.shape[1]), jnp.float32),
    )(x, w)


def _tc_scale(h1, degp):
    n, d = h1.shape
    blk = 1000

    def body(h_ref, deg_ref, g_ref, dv_ref):
        deg = deg_ref[0][:, 0:1] + deg_ref[1][:, 0:1] + 1.0
        dv = jnp.broadcast_to(lax.rsqrt(deg), (blk, d))
        g_ref[...] = h_ref[...] * dv
        dv_ref[...] = dv

    return pl.pallas_call(
        body,
        grid=(n // blk,),
        in_specs=[
            pl.BlockSpec((blk, d), lambda i: (i, 0)),
            pl.BlockSpec((2, blk, 16), lambda i: (0, i, 0)),
        ],
        out_specs=[
            pl.BlockSpec((blk, d), lambda i: (i, 0)),
            pl.BlockSpec((blk, d), lambda i: (i, 0)),
        ],
        out_shape=[
            jax.ShapeDtypeStruct((n, d), jnp.float32),
            jax.ShapeDtypeStruct((n, d), jnp.float32),
        ],
    )(h1, degp)


def _tc_mid(s1, g1, dvb, b1, w2):
    n, d = g1.shape
    blk = 1000

    def body(s_ref, g_ref, dv_ref, b_ref, w_ref, o_ref):
        h = dv_ref[...] * (s_ref[0] + s_ref[1] + g_ref[...]) + b_ref[...]
        h = jnp.maximum(h, 0.0)
        h2 = jnp.dot(h, w_ref[...], preferred_element_type=jnp.float32)
        o_ref[...] = h2 * dv_ref[...]

    return pl.pallas_call(
        body,
        grid=(n // blk,),
        in_specs=[
            pl.BlockSpec((2, blk, d), lambda i: (0, i, 0)),
            pl.BlockSpec((blk, d), lambda i: (i, 0)),
            pl.BlockSpec((blk, d), lambda i: (i, 0)),
            pl.BlockSpec((1, d), lambda i: (0, 0)),
            pl.BlockSpec(w2.shape, lambda i: (0, 0)),
        ],
        out_specs=pl.BlockSpec((blk, d), lambda i: (i, 0)),
        out_shape=jax.ShapeDtypeStruct((n, d), jnp.float32),
    )(s1, g1, dvb, b1, w2)


def _tc_final(s2, g2, dvb, b2):
    n, d = g2.shape
    blk = 1000

    def body(s_ref, g_ref, dv_ref, b_ref, o_ref):
        o = dv_ref[...] * (s_ref[0] + s_ref[1] + g_ref[...]) + b_ref[...]
        m = jnp.max(o, axis=1, keepdims=True)
        z = o - m
        lse = jnp.log(jnp.sum(jnp.exp(z), axis=1, keepdims=True))
        o_ref[...] = z - lse

    return pl.pallas_call(
        body,
        grid=(n // blk,),
        in_specs=[
            pl.BlockSpec((2, blk, d), lambda i: (0, i, 0)),
            pl.BlockSpec((blk, d), lambda i: (i, 0)),
            pl.BlockSpec((blk, d), lambda i: (i, 0)),
            pl.BlockSpec((1, d), lambda i: (0, 0)),
        ],
        out_specs=pl.BlockSpec((blk, d), lambda i: (i, 0)),
        out_shape=jax.ShapeDtypeStruct((n, d), jnp.float32),
    )(s2, g2, dvb, b2)


@jax.jit
def kernel(x, edge_index, eigenvectors, W1, b1, W2, b2):
    n, d_in = x.shape
    e = edge_index.shape[1]

    k = -(-e // (_NW * _CH))
    e_pad = _NW * _CH * k
    src_p = jnp.concatenate(
        [edge_index[0], jnp.zeros((e_pad - e,), jnp.int32)])
    dst_p = jnp.concatenate(
        [edge_index[1], jnp.full((e_pad - e,), n, jnp.int32)])
    src2d = src_p.reshape(_NW, k, _CH)
    dst2d = dst_p.reshape(_NW, k, _CH)

    n_acc = ((n + 1 + _NS * 8 - 1) // (_NS * 8)) * (_NS * 8)
    z16 = jnp.zeros((n_acc, 16), jnp.float32)

    degp = _sc_degree(dst2d, z16, n_acc)
    h1 = _tc_matmul(x, W1)
    g1, dvb = _tc_scale(h1, degp[:, :n, :])
    s1 = _sc_scatter(g1, src2d, dst2d, n_acc)
    g2 = _tc_mid(s1[:, :n, :], g1, dvb, b1.reshape(1, -1), W2)
    s2 = _sc_scatter(g2, src2d, dst2d, n_acc)
    return _tc_final(s2[:, :n, :], g2, dvb, b2.reshape(1, -1))

# --- scband reference (transcript-rebuilt; emitter-appended) ---
"""Pipeline reference for scband-spectrum-gcn-45028437131590 (READ-ONLY COPY).

The authoritative reference and input builder live on the scoring server;
editing this copy changes nothing except your own understanding.
"""

import jax, jax.numpy as jnp
import numpy as np

N = 10000
E = 320000
D_IN = 128
D_H = 128
D_OUT = 128
SPEC_IN = 64


def setup_inputs(seed: int = 0) -> dict:
    key = jax.random.key(seed)
    ks = jax.random.split(key, 8)
    x = jax.random.normal(ks[0], (N, D_IN), dtype=jnp.float32)
    edge_index = jax.random.randint(ks[1], (2, E), 0, N, dtype=jnp.int32)
    eigenvectors = jax.random.normal(ks[2], (N, SPEC_IN), dtype=jnp.float32)
    W1 = jax.random.normal(ks[3], (D_IN, D_H), dtype=jnp.float32) * (1.0 / np.sqrt(D_IN))
    b1 = jnp.zeros((D_H,), dtype=jnp.float32)
    W2 = jax.random.normal(ks[4], (D_H, D_OUT), dtype=jnp.float32) * (1.0 / np.sqrt(D_H))
    b2 = jnp.zeros((D_OUT,), dtype=jnp.float32)
    return {"x": x, "edge_index": edge_index, "eigenvectors": eigenvectors,
            "W1": W1, "b1": b1, "W2": W2, "b2": b2}


def _gcn_conv(x, src, dst, W, b):
    # Standard GCNConv with add_self_loops=True and symmetric normalization:
    # out = D^{-1/2} (A + I) D^{-1/2} X W + b
    num_nodes = x.shape[0]
    h = x @ W
    loop = jnp.arange(num_nodes, dtype=src.dtype)
    src2 = jnp.concatenate([src, loop])
    dst2 = jnp.concatenate([dst, loop])
    deg = jax.ops.segment_sum(jnp.ones(src2.shape, dtype=h.dtype), dst2,
                              num_segments=num_nodes)
    dinv = jnp.where(deg > 0, jax.lax.rsqrt(jnp.maximum(deg, 1e-12)), 0.0)
    norm = dinv[src2] * dinv[dst2]
    msg = h[src2] * norm[:, None]
    out = jax.ops.segment_sum(msg, dst2, num_segments=num_nodes)
    return out + b


def reference(x, edge_index, eigenvectors, W1, b1, W2, b2):
    # graph_less=False path of spectrumGCN.forward (eval mode: dropout is identity).
    # eigenvectors are passed to convGCN but unused in the standard GCN branch.
    src = edge_index[0]
    dst = edge_index[1]
    h = _gcn_conv(x, src, dst, W1, b1)
    h = jax.nn.relu(h)
    out = _gcn_conv(h, src, dst, W2, b2)
    return jax.nn.log_softmax(out, axis=1)

if __name__ == "__main__":
    import jax
    _d = setup_inputs()
    print(jax.jit(kernel)(*tuple(_d.values())))

</pallas_src>

<mosaic_0001>
#map = affine_map<(d0, d1) -> (0, 0)>
#map1 = affine_map<(d0, d1) -> (0, 0, 0)>
module attributes {stable_mosaic.version = 14 : i64} {
  func.func @scat_kernel(%arg0: i32, %arg1: i32, %arg2: memref<10000x128xf32, #tpu.memory_space<hbm>>, %arg3: memref<32x79x128xi32, #tpu.memory_space<hbm>>, %arg4: memref<32x79x128xi32, #tpu.memory_space<hbm>>, %arg5: memref<2x10112x128xf32, #tpu.memory_space<hbm>>, %arg6: memref<79x128xi32, #tpu.memory_space<vmem>>, %arg7: memref<79x128xi32, #tpu.memory_space<vmem>>, %arg8: memref<128x128xf32, #tpu.memory_space<vmem>>, %arg9: memref<10112x128xf32, #tpu.memory_space<vmem_shared>>, %arg10: memref<!tpu.dma_semaphore, #tpu.memory_space<semaphore_mem>>, %arg11: memref<!tpu.dma_semaphore, #tpu.memory_space<semaphore_mem>>) attributes {dimension_semantics = [#tpu.dimension_semantics<core_parallel>, #tpu.dimension_semantics<subcore_parallel>], iteration_bounds = array<i64: 2, 16>, scalar_prefetch = 0 : i64, scratch_operands = 6 : i64, tpu.core_type = #tpu.core_type<sc_vector_subcore>, window_params = [{transform_indices = #map}, {transform_indices = #map1}, {transform_indices = #map1}, {transform_indices = #map1}]} {
    %mul3A = arith.constant 2 : i32
    %mul3A_0 = arith.muli %arg1, %mul3A : i32
    %add3A = arith.addi %mul3A_0, %arg0 : i32
    %scan3A = arith.constant 0 : i32
    %scan3A_1 = arith.constant 128 : i32
    %scan3A_2 = arith.addi %scan3A, %scan3A_1 : i32
    %scan3A_3 = arith.constant 1 : i32
    scf.for %scan3A_83 = %scan3A to %scan3A_2 step %scan3A_3  : i32 {
      %mul3A_84 = arith.constant 1 : i32
      %mul3A_85 = arith.muli %scan3A_83, %mul3A_84 : i32
      %add3A_86 = arith.constant 0 : i32
      %add3A_87 = arith.addi %add3A_86, %mul3A_85 : i32
      %broadcast_in_dim3A = arith.constant 0.000000e+00 : f32
      %broadcast_in_dim3A_88 = vector.broadcast %broadcast_in_dim3A : f32 to vector<16xf32>
      %swap3A = arith.index_cast %add3A_87 : i32 to index
      %swap3A_89 = arith.constant 0 : index
      %swap3A_90 = tpu.vector_load %arg8[%swap3A, %swap3A_89] {strides = array<i32>} : memref<128x128xf32, #tpu.memory_space<vmem>>, vector<1x16xf32>,
      %swap3A_91 = vector.shape_cast %swap3A_90 : vector<1x16xf32> to vector<16xf32>
      %swap3A_92 = vector.shape_cast %broadcast_in_dim3A_88 : vector<16xf32> to vector<1x16xf32>
      tpu.vector_store %arg8[%swap3A, %swap3A_89], %swap3A_92 {strides = array<i32>} : memref<128x128xf32, #tpu.memory_space<vmem>>, vector<1x16xf32>,
      %broadcast_in_dim3A_93 = arith.constant 0.000000e+00 : f32
      %broadcast_in_dim3A_94 = vector.broadcast %broadcast_in_dim3A_93 : f32 to vector<16xf32>
      %swap3A_95 = arith.index_cast %add3A_87 : i32 to index
      %swap3A_96 = arith.constant 16 : index
      %swap3A_97 = tpu.vector_load %arg8[%swap3A_95, %swap3A_96] {strides = array<i32>} : memref<128x128xf32, #tpu.memory_space<vmem>>, vector<1x16xf32>,
      %swap3A_98 = vector.shape_cast %swap3A_97 : vector<1x16xf32> to vector<16xf32>
      %swap3A_99 = vector.shape_cast %broadcast_in_dim3A_94 : vector<16xf32> to vector<1x16xf32>
      tpu.vector_store %arg8[%swap3A_95, %swap3A_96], %swap3A_99 {strides = array<i32>} : memref<128x128xf32, #tpu.memory_space<vmem>>, vector<1x16xf32>,
      %broadcast_in_dim3A_100 = arith.constant 0.000000e+00 : f32
      %broadcast_in_dim3A_101 = vector.broadcast %broadcast_in_dim3A_100 : f32 to vector<16xf32>
      %swap3A_102 = arith.index_cast %add3A_87 : i32 to index
      %swap3A_103 = arith.constant 32 : index
      %swap3A_104 = tpu.vector_load %arg8[%swap3A_102, %swap3A_103] {strides = array<i32>} : memref<128x128xf32, #tpu.memory_space<vmem>>, vector<1x16xf32>,
      %swap3A_105 = vector.shape_cast %swap3A_104 : vector<1x16xf32> to vector<16xf32>
      %swap3A_106 = vector.shape_cast %broadcast_in_dim3A_101 : vector<16xf32> to vector<1x16xf32>
      tpu.vector_store %arg8[%swap3A_102, %swap3A_103], %swap3A_106 {strides = array<i32>} : memref<128x128xf32, #tpu.memory_space<vmem>>, vector<1x16xf32>,
      %broadcast_in_dim3A_107 = arith.constant 0.000000e+00 : f32
      %broadcast_in_dim3A_108 = vector.broadcast %broadcast_in_dim3A_107 : f32 to vector<16xf32>
      %swap3A_109 = arith.index_cast %add3A_87 : i32 to index
      %swap3A_110 = arith.constant 48 : index
      %swap3A_111 = tpu.vector_load %arg8[%swap3A_109, %swap3A_110] {strides = array<i32>} : memref<128x128xf32, #tpu.memory_space<vmem>>, vector<1x16xf32>,
      %swap3A_112 = vector.shape_cast %swap3A_111 : vector<1x16xf32> to vector<16xf32>
      %swap3A_113 = vector.shape_cast %broadcast_in_dim3A_108 : vector<16xf32> to vector<1x16xf32>
      tpu.vector_store %arg8[%swap3A_109, %swap3A_110], %swap3A_113 {strides = array<i32>} : memref<128x128xf32, #tpu.memory_space<vmem>>, vector<1x16xf32>,
      %broadcast_in_dim3A_114 = arith.constant 0.000000e+00 : f32
      %broadcast_in_dim3A_115 = vector.broadcast %broadcast_in_dim3A_114 : f32 to vector<16xf32>
      %swap3A_116 = arith.index_cast %add3A_87 : i32 to index
      %swap3A_117 = arith.constant 64 : index
      %swap3A_118 = tpu.vector_load %arg8[%swap3A_116, %swap3A_117] {strides = array<i32>} : memref<128x128xf32, #tpu.memory_space<vmem>>, vector<1x16xf32>,
      %swap3A_119 = vector.shape_cast %swap3A_118 : vector<1x16xf32> to vector<16xf32>
      %swap3A_120 = vector.shape_cast %broadcast_in_dim3A_115 : vector<16xf32> to vector<1x16xf32>
      tpu.vector_store %arg8[%swap3A_116, %swap3A_117], %swap3A_120 {strides = array<i32>} : memref<128x128xf32, #tpu.memory_space<vmem>>, vector<1x16xf32>,
      %broadcast_in_dim3A_121 = arith.constant 0.000000e+00 : f32
      %broadcast_in_dim3A_122 = vector.broadcast %broadcast_in_dim3A_121 : f32 to vector<16xf32>
      %swap3A_123 = arith.index_cast %add3A_87 : i32 to index
      %swap3A_124 = arith.constant 80 : index
      %swap3A_125 = tpu.vector_load %arg8[%swap3A_123, %swap3A_124] {strides = array<i32>} : memref<128x128xf32, #tpu.memory_space<vmem>>, vector<1x16xf32>,
      %swap3A_126 = vector.shape_cast %swap3A_125 : vector<1x16xf32> to vector<16xf32>
      %swap3A_127 = vector.shape_cast %broadcast_in_dim3A_122 : vector<16xf32> to vector<1x16xf32>
      tpu.vector_store %arg8[%swap3A_123, %swap3A_124], %swap3A_127 {strides = array<i32>} : memref<128x128xf32, #tpu.memory_space<vmem>>, vector<1x16xf32>,
      %broadcast_in_dim3A_128 = arith.constant 0.000000e+00 : f32
      %broadcast_in_dim3A_129 = vector.broadcast %broadcast_in_dim3A_128 : f32 to vector<16xf32>
      %swap3A_130 = arith.index_cast %add3A_87 : i32 to index
      %swap3A_131 = arith.constant 96 : index
      %swap3A_132 = tpu.vector_load %arg8[%swap3A_130, %swap3A_131] {strides = array<i32>} : memref<128x128xf32, #tpu.memory_space<vmem>>, vector<1x16xf32>,
      %swap3A_133 = vector.shape_cast %swap3A_132 : vector<1x16xf32> to vector<16xf32>
      %swap3A_134 = vector.shape_cast %broadcast_in_dim3A_129 : vector<16xf32> to vector<1x16xf32>
      tpu.vector_store %arg8[%swap3A_130, %swap3A_131], %swap3A_134 {strides = array<i32>} : memref<128x128xf32, #tpu.memory_space<vmem>>, vector<1x16xf32>,
      %broadcast_in_dim3A_135 = arith.constant 0.000000e+00 : f32
      %broadcast_in_dim3A_136 = vector.broadcast %broadcast_in_dim3A_135 : f32 to vector<16xf32>
      %swap3A_137 = arith.index_cast %add3A_87 : i32 to index
      %swap3A_138 = arith.constant 112 : index
      %swap3A_139 = tpu.vector_load %arg8[%swap3A_137, %swap3A_138] {strides = array<i32>} : memref<128x128xf32, #tpu.memory_space<vmem>>, vector<1x16xf32>,
      %swap3A_140 = vector.shape_cast %swap3A_139 : vector<1x16xf32> to vector<16xf32>
      %swap3A_141 = vector.shape_cast %broadcast_in_dim3A_136 : vector<16xf32> to vector<1x16xf32>
      tpu.vector_store %arg8[%swap3A_137, %swap3A_138], %swap3A_141 {strides = array<i32>} : memref<128x128xf32, #tpu.memory_space<vmem>>, vector<1x16xf32>,
    }
    %scan3A_4 = arith.constant 128 : i32
    %mul3A_5 = arith.constant 632 : i32
    %mul3A_6 = arith.muli %arg1, %mul3A_5 : i32
    %add3A_7 = arith.constant 0 : i32
    %add3A_8 = arith.addi %mul3A_6, %add3A_7 : i32
    %dma_start3A = arith.constant 0 : i32
    %dma_start3A_9 = tpu.memref_slice %arg9[%add3A_8, %dma_start3A] : memref<10112x128xf32, #tpu.memory_space<vmem_shared>> -> memref<128x128xf32, #tpu.memory_space<vmem_shared>>
    %dma_start3A_10 = arith.constant 0 : i32
    %dma_start3A_11 = tpu.memref_slice %arg9[%add3A_8, %dma_start3A_10] : memref<10112x128xf32, #tpu.memory_space<vmem_shared>> -> memref<128x128xf32, #tpu.memory_space<vmem_shared>>
    tpu.enqueue_dma source(%arg8 : memref<128x128xf32, #tpu.memory_space<vmem>>) target(%dma_start3A_11 : memref<128x128xf32, #tpu.memory_space<vmem_shared>>) target_semaphore(%arg11 : memref<!tpu.dma_semaphore, #tpu.memory_space<semaphore_mem>>)
    %add3A_12 = arith.constant 128 : i32
    %add3A_13 = arith.addi %mul3A_6, %add3A_12 : i32
    %dma_start3A_14 = arith.constant 0 : i32
    %dma_start3A_15 = tpu.memref_slice %arg9[%add3A_13, %dma_start3A_14] : memref<10112x128xf32, #tpu.memory_space<vmem_shared>> -> memref<128x128xf32, #tpu.memory_space<vmem_shared>>
    %dma_start3A_16 = arith.constant 0 : i32
    %dma_start3A_17 = tpu.memref_slice %arg9[%add3A_13, %dma_start3A_16] : memref<10112x128xf32, #tpu.memory_space<vmem_shared>> -> memref<128x128xf32, #tpu.memory_space<vmem_shared>>
    tpu.enqueue_dma source(%arg8 : memref<128x128xf32, #tpu.memory_space<vmem>>) target(%dma_start3A_17 : memref<128x128xf32, #tpu.memory_space<vmem_shared>>) target_semaphore(%arg11 : memref<!tpu.dma_semaphore, #tpu.memory_space<semaphore_mem>>)
    %add3A_18 = arith.constant 256 : i32
    %add3A_19 = arith.addi %mul3A_6, %add3A_18 : i32
    %dma_start3A_20 = arith.constant 0 : i32
    %dma_start3A_21 = tpu.memref_slice %arg9[%add3A_19, %dma_start3A_20] : memref<10112x128xf32, #tpu.memory_space<vmem_shared>> -> memref<128x128xf32, #tpu.memory_space<vmem_shared>>
    %dma_start3A_22 = arith.constant 0 : i32
    %dma_start3A_23 = tpu.memref_slice %arg9[%add3A_19, %dma_start3A_22] : memref<10112x128xf32, #tpu.memory_space<vmem_shared>> -> memref<128x128xf32, #tpu.memory_space<vmem_shared>>
    tpu.enqueue_dma source(%arg8 : memref<128x128xf32, #tpu.memory_space<vmem>>) target(%dma_start3A_23 : memref<128x128xf32, #tpu.memory_space<vmem_shared>>) target_semaphore(%arg11 : memref<!tpu.dma_semaphore, #tpu.memory_space<semaphore_mem>>)
    %add3A_24 = arith.constant 384 : i32
    %add3A_25 = arith.addi %mul3A_6, %add3A_24 : i32
    %dma_start3A_26 = arith.constant 0 : i32
    %dma_start3A_27 = tpu.memref_slice %arg9[%add3A_25, %dma_start3A_26] : memref<10112x128xf32, #tpu.memory_space<vmem_shared>> -> memref<128x128xf32, #tpu.memory_space<vmem_shared>>
    %dma_start3A_28 = arith.constant 0 : i32
    %dma_start3A_29 = tpu.memref_slice %arg9[%add3A_25, %dma_start3A_28] : memref<10112x128xf32, #tpu.memory_space<vmem_shared>> -> memref<128x128xf32, #tpu.memory_space<vmem_shared>>
    tpu.enqueue_dma source(%arg8 : memref<128x128xf32, #tpu.memory_space<vmem>>) target(%dma_start3A_29 : memref<128x128xf32, #tpu.memory_space<vmem_shared>>) target_semaphore(%arg11 : memref<!tpu.dma_semaphore, #tpu.memory_space<semaphore_mem>>)
    %add3A_30 = arith.constant 512 : i32
    %add3A_31 = arith.addi %mul3A_6, %add3A_30 : i32
    %dma_start3A_32 = arith.constant 0 : i32
    %dma_start3A_33 = arith.constant 0 : i32
    %dma_start3A_34 = tpu.memref_slice %arg8[%dma_start3A_32, %dma_start3A_33] : memref<128x128xf32, #tpu.memory_space<vmem>> -> memref<120x128xf32, #tpu.memory_space<vmem>>
    %dma_start3A_35 = arith.constant 0 : i32
    %dma_start3A_36 = tpu.memref_slice %arg9[%add3A_31, %dma_start3A_35] : memref<10112x128xf32, #tpu.memory_space<vmem_shared>> -> memref<120x128xf32, #tpu.memory_space<vmem_shared>>
    %dma_start3A_37 = arith.constant 0 : i32
    %dma_start3A_38 = tpu.memref_slice %arg9[%add3A_31, %dma_start3A_37] : memref<10112x128xf32, #tpu.memory_space<vmem_shared>> -> memref<120x128xf32, #tpu.memory_space<vmem_shared>>
    %dma_start3A_39 = arith.constant 0 : i32
    %dma_start3A_40 = arith.constant 0 : i32
    %dma_start3A_41 = tpu.memref_slice %arg8[%dma_start3A_39, %dma_start3A_40] : memref<128x128xf32, #tpu.memory_space<vmem>> -> memref<120x128xf32, #tpu.memory_space<vmem>>
    tpu.enqueue_dma source(%dma_start3A_41 : memref<120x128xf32, #tpu.memory_space<vmem>>) target(%dma_start3A_38 : memref<120x128xf32, #tpu.memory_space<vmem_shared>>) target_semaphore(%arg11 : memref<!tpu.dma_semaphore, #tpu.memory_space<semaphore_mem>>)
    "tpu.region"() ({
      %run_scoped3A = tpu.sem_alloc : memref<!tpu.dma_semaphore, #tpu.memory_space<semaphore_mem>>
      %dma_start3A_83 = arith.constant 0 : i32
      %dma_start3A_84 = arith.constant 0 : i32
      %dma_start3A_85 = tpu.memref_slice %arg3[%add3A, %dma_start3A_83, %dma_start3A_84] : memref<32x79x128xi32, #tpu.memory_space<hbm>> -> memref<1x79x128xi32, #tpu.memory_space<hbm>>
      %dma_start3A_86 = tpu.memref_squeeze %dma_start3A_85 : memref<1x79x128xi32, #tpu.memory_space<hbm>> -> memref<79x128xi32, #tpu.memory_space<hbm>>
      %dma_start3A_87 = arith.constant 0 : i32
      %dma_start3A_88 = arith.constant 0 : i32
      %dma_start3A_89 = tpu.memref_slice %arg3[%add3A, %dma_start3A_87, %dma_start3A_88] : memref<32x79x128xi32, #tpu.memory_space<hbm>> -> memref<1x79x128xi32, #tpu.memory_space<hbm>>
      %dma_start3A_90 = tpu.memref_squeeze %dma_start3A_89 : memref<1x79x128xi32, #tpu.memory_space<hbm>> -> memref<79x128xi32, #tpu.memory_space<hbm>>
      tpu.enqueue_dma source(%dma_start3A_90 : memref<79x128xi32, #tpu.memory_space<hbm>>) target(%arg6 : memref<79x128xi32, #tpu.memory_space<vmem>>) target_semaphore(%run_scoped3A : memref<!tpu.dma_semaphore, #tpu.memory_space<semaphore_mem>>)
      %dma_wait3A_91 = arith.constant 0 : i32
      %dma_wait3A_92 = arith.constant 0 : i32
      %dma_wait3A_93 = tpu.memref_slice %arg3[%add3A, %dma_wait3A_91, %dma_wait3A_92] : memref<32x79x128xi32, #tpu.memory_space<hbm>> -> memref<1x79x128xi32, #tpu.memory_space<hbm>>
      %dma_wait3A_94 = tpu.memref_squeeze %dma_wait3A_93 : memref<1x79x128xi32, #tpu.memory_space<hbm>> -> memref<79x128xi32, #tpu.memory_space<hbm>>
      %dma_wait3A_95 = arith.constant 0 : i32
      %dma_wait3A_96 = arith.constant 0 : i32
      %dma_wait3A_97 = tpu.memref_slice %arg3[%add3A, %dma_wait3A_95, %dma_wait3A_96] : memref<32x79x128xi32, #tpu.memory_space<hbm>> -> memref<1x79x128xi32, #tpu.memory_space<hbm>>
      %dma_wait3A_98 = tpu.memref_squeeze %dma_wait3A_97 : memref<1x79x128xi32, #tpu.memory_space<hbm>> -> memref<79x128xi32, #tpu.memory_space<hbm>>
      tpu.wait_dma2 semaphore(%run_scoped3A : memref<!tpu.dma_semaphore, #tpu.memory_space<semaphore_mem>>) src(%dma_wait3A_98 : memref<79x128xi32, #tpu.memory_space<hbm>>) dst(%arg6 : memref<79x128xi32, #tpu.memory_space<vmem>>)
      tpu.yield
    }) : () -> ()
    "tpu.region"() ({
      %run_scoped3A = tpu.sem_alloc : memref<!tpu.dma_semaphore, #tpu.memory_space<semaphore_mem>>
      %dma_start3A_83 = arith.constant 0 : i32
      %dma_start3A_84 = arith.constant 0 : i32
      %dma_start3A_85 = tpu.memref_slice %arg4[%add3A, %dma_start3A_83, %dma_start3A_84] : memref<32x79x128xi32, #tpu.memory_space<hbm>> -> memref<1x79x128xi32, #tpu.memory_space<hbm>>
      %dma_start3A_86 = tpu.memref_squeeze %dma_start3A_85 : memref<1x79x128xi32, #tpu.memory_space<hbm>> -> memref<79x128xi32, #tpu.memory_space<hbm>>
      %dma_start3A_87 = arith.constant 0 : i32
      %dma_start3A_88 = arith.constant 0 : i32
      %dma_start3A_89 = tpu.memref_slice %arg4[%add3A, %dma_start3A_87, %dma_start3A_88] : memref<32x79x128xi32, #tpu.memory_space<hbm>> -> memref<1x79x128xi32, #tpu.memory_space<hbm>>
      %dma_start3A_90 = tpu.memref_squeeze %dma_start3A_89 : memref<1x79x128xi32, #tpu.memory_space<hbm>> -> memref<79x128xi32, #tpu.memory_space<hbm>>
      tpu.enqueue_dma source(%dma_start3A_90 : memref<79x128xi32, #tpu.memory_space<hbm>>) target(%arg7 : memref<79x128xi32, #tpu.memory_space<vmem>>) target_semaphore(%run_scoped3A : memref<!tpu.dma_semaphore, #tpu.memory_space<semaphore_mem>>)
      %dma_wait3A_91 = arith.constant 0 : i32
      %dma_wait3A_92 = arith.constant 0 : i32
      %dma_wait3A_93 = tpu.memref_slice %arg4[%add3A, %dma_wait3A_91, %dma_wait3A_92] : memref<32x79x128xi32, #tpu.memory_space<hbm>> -> memref<1x79x128xi32, #tpu.memory_space<hbm>>
      %dma_wait3A_94 = tpu.memref_squeeze %dma_wait3A_93 : memref<1x79x128xi32, #tpu.memory_space<hbm>> -> memref<79x128xi32, #tpu.memory_space<hbm>>
      %dma_wait3A_95 = arith.constant 0 : i32
      %dma_wait3A_96 = arith.constant 0 : i32
      %dma_wait3A_97 = tpu.memref_slice %arg4[%add3A, %dma_wait3A_95, %dma_wait3A_96] : memref<32x79x128xi32, #tpu.memory_space<hbm>> -> memref<1x79x128xi32, #tpu.memory_space<hbm>>
      %dma_wait3A_98 = tpu.memref_squeeze %dma_wait3A_97 : memref<1x79x128xi32, #tpu.memory_space<hbm>> -> memref<79x128xi32, #tpu.memory_space<hbm>>
      tpu.wait_dma2 semaphore(%run_scoped3A : memref<!tpu.dma_semaphore, #tpu.memory_space<semaphore_mem>>) src(%dma_wait3A_98 : memref<79x128xi32, #tpu.memory_space<hbm>>) dst(%arg7 : memref<79x128xi32, #tpu.memory_space<vmem>>)
      tpu.yield
    }) : () -> ()
    %add3A_42 = arith.constant 0 : i32
    %add3A_43 = arith.addi %mul3A_6, %add3A_42 : i32
    %dma_wait3A = arith.constant 0 : i32
    %dma_wait3A_44 = tpu.memref_slice %arg9[%add3A_43, %dma_wait3A] : memref<10112x128xf32, #tpu.memory_space<vmem_shared>> -> memref<128x128xf32, #tpu.memory_space<vmem_shared>>
    %dma_wait3A_45 = arith.constant 0 : i32
    %dma_wait3A_46 = tpu.memref_slice %arg9[%add3A_43, %dma_wait3A_45] : memref<10112x128xf32, #tpu.memory_space<vmem_shared>> -> memref<128x128xf32, #tpu.memory_space<vmem_shared>>
    tpu.wait_dma2 semaphore(%arg11 : memref<!tpu.dma_semaphore, #tpu.memory_space<semaphore_mem>>) src(%arg8 : memref<128x128xf32, #tpu.memory_space<vmem>>) dst(%dma_wait3A_46 : memref<128x128xf32, #tpu.memory_space<vmem_shared>>)
    %add3A_47 = arith.constant 128 : i32
    %add3A_48 = arith.addi %mul3A_6, %add3A_47 : i32
    %dma_wait3A_49 = arith.constant 0 : i32
    %dma_wait3A_50 = tpu.memref_slice %arg9[%add3A_48, %dma_wait3A_49] : memref<10112x128xf32, #tpu.memory_space<vmem_shared>> -> memref<128x128xf32, #tpu.memory_space<vmem_shared>>
    %dma_wait3A_51 = arith.constant 0 : i32
    %dma_wait3A_52 = tpu.memref_slice %arg9[%add3A_48, %dma_wait3A_51] : memref<10112x128xf32, #tpu.memory_space<vmem_shared>> -> memref<128x128xf32, #tpu.memory_space<vmem_shared>>
    tpu.wait_dma2 semaphore(%arg11 : memref<!tpu.dma_semaphore, #tpu.memory_space<semaphore_mem>>) src(%arg8 : memref<128x128xf32, #tpu.memory_space<vmem>>) dst(%dma_wait3A_52 : memref<128x128xf32, #tpu.memory_space<vmem_shared>>)
    %add3A_53 = arith.constant 256 : i32
    %add3A_54 = arith.addi %mul3A_6, %add3A_53 : i32
    %dma_wait3A_55 = arith.constant 0 : i32
    %dma_wait3A_56 = tpu.memref_slice %arg9[%add3A_54, %dma_wait3A_55] : memref<10112x128xf32, #tpu.memory_space<vmem_shared>> -> memref<128x128xf32, #tpu.memory_space<vmem_shared>>
    %dma_wait3A_57 = arith.constant 0 : i32
    %dma_wait3A_58 = tpu.memref_slice %arg9[%add3A_54, %dma_wait3A_57] : memref<10112x128xf32, #tpu.memory_space<vmem_shared>> -> memref<128x128xf32, #tpu.memory_space<vmem_shared>>
    tpu.wait_dma2 semaphore(%arg11 : memref<!tpu.dma_semaphore, #tpu.memory_space<semaphore_mem>>) src(%arg8 : memref<128x128xf32, #tpu.memory_space<vmem>>) dst(%dma_wait3A_58 : memref<128x128xf32, #tpu.memory_space<vmem_shared>>)
    %add3A_59 = arith.constant 384 : i32
    %add3A_60 = arith.addi %mul3A_6, %add3A_59 : i32
    %dma_wait3A_61 = arith.constant 0 : i32
    %dma_wait3A_62 = tpu.memref_slice %arg9[%add3A_60, %dma_wait3A_61] : memref<10112x128xf32, #tpu.memory_space<vmem_shared>> -> memref<128x128xf32, #tpu.memory_space<vmem_shared>>
    %dma_wait3A_63 = arith.constant 0 : i32
    %dma_wait3A_64 = tpu.memref_slice %arg9[%add3A_60, %dma_wait3A_63] : memref<10112x128xf32, #tpu.memory_space<vmem_shared>> -> memref<128x128xf32, #tpu.memory_space<vmem_shared>>
    tpu.wait_dma2 semaphore(%arg11 : memref<!tpu.dma_semaphore, #tpu.memory_space<semaphore_mem>>) src(%arg8 : memref<128x128xf32, #tpu.memory_space<vmem>>) dst(%dma_wait3A_64 : memref<128x128xf32, #tpu.memory_space<vmem_shared>>)
    %add3A_65 = arith.constant 512 : i32
    %add3A_66 = arith.addi %mul3A_6, %add3A_65 : i32
    %dma_wait3A_67 = arith.constant 0 : i32
    %dma_wait3A_68 = arith.constant 0 : i32
    %dma_wait3A_69 = tpu.memref_slice %arg8[%dma_wait3A_67, %dma_wait3A_68] : memref<128x128xf32, #tpu.memory_space<vmem>> -> memref<120x128xf32, #tpu.memory_space<vmem>>
    %dma_wait3A_70 = arith.constant 0 : i32
    %dma_wait3A_71 = tpu.memref_slice %arg9[%add3A_66, %dma_wait3A_70] : memref<10112x128xf32, #tpu.memory_space<vmem_shared>> -> memref<120x128xf32, #tpu.memory_space<vmem_shared>>
    %dma_wait3A_72 = arith.constant 0 : i32
    %dma_wait3A_73 = tpu.memref_slice %arg9[%add3A_66, %dma_wait3A_72] : memref<10112x128xf32, #tpu.memory_space<vmem_shared>> -> memref<120x128xf32, #tpu.memory_space<vmem_shared>>
    %dma_wait3A_74 = arith.constant 0 : i32
    %dma_wait3A_75 = arith.constant 0 : i32
    %dma_wait3A_76 = tpu.memref_slice %arg8[%dma_wait3A_74, %dma_wait3A_75] : memref<128x128xf32, #tpu.memory_space<vmem>> -> memref<120x128xf32, #tpu.memory_space<vmem>>
    tpu.wait_dma2 semaphore(%arg11 : memref<!tpu.dma_semaphore, #tpu.memory_space<semaphore_mem>>) src(%dma_wait3A_76 : memref<120x128xf32, #tpu.memory_space<vmem>>) dst(%dma_wait3A_73 : memref<120x128xf32, #tpu.memory_space<vmem_shared>>)
    %barrier3A = arith.constant 0 : index
    tpu.barrier barrier_id(%barrier3A)
    %scan3A_77 = arith.constant 0 : i32
    %scan3A_78 = arith.constant 79 : i32
    %scan3A_79 = arith.addi %scan3A_77, %scan3A_78 : i32
    %scan3A_80 = arith.constant 1 : i32
    scf.for %scan3A_83 = %scan3A_77 to %scan3A_79 step %scan3A_80  : i32 {
      %mul3A_84 = arith.constant 1 : i32
      %mul3A_85 = arith.muli %scan3A_83, %mul3A_84 : i32
      %add3A_86 = arith.constant 0 : i32
      %add3A_87 = arith.addi %add3A_86, %mul3A_85 : i32
      %dma_start3A_88 = arith.constant 0 : i32
      %dma_start3A_89 = tpu.memref_slice %arg6[%add3A_87, %dma_start3A_88] : memref<79x128xi32, #tpu.memory_space<vmem>> -> memref<1x128xi32, #tpu.memory_space<vmem>>
      %dma_start3A_90 = tpu.memref_squeeze %dma_start3A_89 : memref<1x128xi32, #tpu.memory_space<vmem>> -> memref<128xi32, #tpu.memory_space<vmem>>
      %dma_start3A_91 = arith.constant 0 : i32
      %dma_start3A_92 = arith.constant 0 : i32
      %dma_start3A_93 = tpu.memref_slice %arg2[%dma_start3A_91, %dma_start3A_92] : memref<10000x128xf32, #tpu.memory_space<hbm>> -> memref<10000x128xf32, #tpu.memory_space<hbm>>
      tpu.enqueue_indirect_dma source(%dma_start3A_93 : memref<10000x128xf32, #tpu.memory_space<hbm>>) target(%arg8 : memref<128x128xf32, #tpu.memory_space<vmem>>) offsets(%dma_start3A_90 : memref<128xi32, #tpu.memory_space<vmem>>) semaphore(%arg10 : memref<!tpu.dma_semaphore, #tpu.memory_space<semaphore_mem>>)
      %dma_wait3A_94 = arith.constant 0 : i32
      %dma_wait3A_95 = tpu.memref_slice %arg6[%add3A_87, %dma_wait3A_94] : memref<79x128xi32, #tpu.memory_space<vmem>> -> memref<1x128xi32, #tpu.memory_space<vmem>>
      %dma_wait3A_96 = tpu.memref_squeeze %dma_wait3A_95 : memref<1x128xi32, #tpu.memory_space<vmem>> -> memref<128xi32, #tpu.memory_space<vmem>>
      %dma_wait3A_97 = arith.constant 0 : i32
      %dma_wait3A_98 = arith.constant 0 : i32
      %dma_wait3A_99 = tpu.memref_slice %arg2[%dma_wait3A_97, %dma_wait3A_98] : memref<10000x128xf32, #tpu.memory_space<hbm>> -> memref<10000x128xf32, #tpu.memory_space<hbm>>
      tpu.wait_indirect_dma semaphore(%arg10 : memref<!tpu.dma_semaphore, #tpu.memory_space<semaphore_mem>>) src(%dma_wait3A_99 : memref<10000x128xf32, #tpu.memory_space<hbm>>) dst(%arg8 : memref<128x128xf32, #tpu.memory_space<vmem>>)
      "tpu.region"() ({
        %run_scoped3A = tpu.sem_alloc : memref<!tpu.dma_semaphore, #tpu.memory_space<semaphore_mem>>
        %dma_start3A_100 = arith.constant 0 : i32
        %dma_start3A_101 = tpu.memref_slice %arg7[%add3A_87, %dma_start3A_100] : memref<79x128xi32, #tpu.memory_space<vmem>> -> memref<1x128xi32, #tpu.memory_space<vmem>>
        %dma_start3A_102 = tpu.memref_squeeze %dma_start3A_101 : memref<1x128xi32, #tpu.memory_space<vmem>> -> memref<128xi32, #tpu.memory_space<vmem>>
        %dma_start3A_103 = arith.constant 0 : i32
        %dma_start3A_104 = arith.constant 0 : i32
        %dma_start3A_105 = tpu.memref_slice %arg9[%dma_start3A_103, %dma_start3A_104] : memref<10112x128xf32, #tpu.memory_space<vmem_shared>> -> memref<10112x128xf32, #tpu.memory_space<vmem_shared>>
        tpu.enqueue_indirect_dma source(%arg8 : memref<128x128xf32, #tpu.memory_space<vmem>>) target(%dma_start3A_105 : memref<10112x128xf32, #tpu.memory_space<vmem_shared>>) offsets(%dma_start3A_102 : memref<128xi32, #tpu.memory_space<vmem>>) semaphore(%run_scoped3A : memref<!tpu.dma_semaphore, #tpu.memory_space<semaphore_mem>>) {add = true}
        %dma_wait3A_106 = arith.constant 0 : i32
        %dma_wait3A_107 = tpu.memref_slice %arg7[%add3A_87, %dma_wait3A_106] : memref<79x128xi32, #tpu.memory_space<vmem>> -> memref<1x128xi32, #tpu.memory_space<vmem>>
        %dma_wait3A_108 = tpu.memref_squeeze %dma_wait3A_107 : memref<1x128xi32, #tpu.memory_space<vmem>> -> memref<128xi32, #tpu.memory_space<vmem>>
        %dma_wait3A_109 = arith.constant 0 : i32
        %dma_wait3A_110 = arith.constant 0 : i32
        %dma_wait3A_111 = tpu.memref_slice %arg9[%dma_wait3A_109, %dma_wait3A_110] : memref<10112x128xf32, #tpu.memory_space<vmem_shared>> -> memref<10112x128xf32, #tpu.memory_space<vmem_shared>>
        tpu.wait_indirect_dma semaphore(%run_scoped3A : memref<!tpu.dma_semaphore, #tpu.memory_space<semaphore_mem>>) src(%arg8 : memref<128x128xf32, #tpu.memory_space<vmem>>) dst(%dma_wait3A_111 : memref<10112x128xf32, #tpu.memory_space<vmem_shared>>)
        tpu.yield
      }) : () -> ()
    }
    %scan3A_81 = arith.constant 79 : i32
    %barrier3A_82 = arith.constant 0 : index
    tpu.barrier barrier_id(%barrier3A_82)
    "tpu.region"() ({
      %run_scoped3A = tpu.sem_alloc : memref<!tpu.dma_semaphore, #tpu.memory_space<semaphore_mem>>
      %dma_start3A_83 = arith.constant 0 : i32
      %dma_start3A_84 = arith.constant 0 : i32
      %dma_start3A_85 = tpu.memref_slice %arg5[%arg0, %dma_start3A_83, %dma_start3A_84] : memref<2x10112x128xf32, #tpu.memory_space<hbm>> -> memref<1x10112x128xf32, #tpu.memory_space<hbm>>
      %dma_start3A_86 = tpu.memref_squeeze %dma_start3A_85 : memref<1x10112x128xf32, #tpu.memory_space<hbm>> -> memref<10112x128xf32, #tpu.memory_space<hbm>>
      %dma_start3A_87 = arith.constant 0 : i32
      %dma_start3A_88 = tpu.memref_slice %dma_start3A_86[%mul3A_6, %dma_start3A_87] : memref<10112x128xf32, #tpu.memory_space<hbm>> -> memref<632x128xf32, #tpu.memory_space<hbm>>
      %dma_start3A_89 = arith.constant 0 : i32
      %dma_start3A_90 = tpu.memref_slice %arg9[%mul3A_6, %dma_start3A_89] : memref<10112x128xf32, #tpu.memory_space<vmem_shared>> -> memref<632x128xf32, #tpu.memory_space<vmem_shared>>
      tpu.enqueue_dma source(%dma_start3A_90 : memref<632x128xf32, #tpu.memory_space<vmem_shared>>) target(%dma_start3A_88 : memref<632x128xf32, #tpu.memory_space<hbm>>) target_semaphore(%run_scoped3A : memref<!tpu.dma_semaphore, #tpu.memory_space<semaphore_mem>>)
      %dma_wait3A_91 = arith.constant 0 : i32
      %dma_wait3A_92 = arith.constant 0 : i32
      %dma_wait3A_93 = tpu.memref_slice %arg5[%arg0, %dma_wait3A_91, %dma_wait3A_92] : memref<2x10112x128xf32, #tpu.memory_space<hbm>> -> memref<1x10112x128xf32, #tpu.memory_space<hbm>>
      %dma_wait3A_94 = tpu.memref_squeeze %dma_wait3A_93 : memref<1x10112x128xf32, #tpu.memory_space<hbm>> -> memref<10112x128xf32, #tpu.memory_space<hbm>>
      %dma_wait3A_95 = arith.constant 0 : i32
      %dma_wait3A_96 = tpu.memref_slice %dma_wait3A_94[%mul3A_6, %dma_wait3A_95] : memref<10112x128xf32, #tpu.memory_space<hbm>> -> memref<632x128xf32, #tpu.memory_space<hbm>>
      %dma_wait3A_97 = arith.constant 0 : i32
      %dma_wait3A_98 = tpu.memref_slice %arg9[%mul3A_6, %dma_wait3A_97] : memref<10112x128xf32, #tpu.memory_space<vmem_shared>> -> memref<632x128xf32, #tpu.memory_space<vmem_shared>>
      tpu.wait_dma2 semaphore(%run_scoped3A : memref<!tpu.dma_semaphore, #tpu.memory_space<semaphore_mem>>) src(%dma_wait3A_98 : memref<632x128xf32, #tpu.memory_space<vmem_shared>>) dst(%dma_wait3A_96 : memref<632x128xf32, #tpu.memory_space<hbm>>)
      tpu.yield
    }) : () -> ()
    return
  }
}

#map = affine_map<(d0, d1) -> (0, 0, 0)>
#map1 = affine_map<(d0, d1) -> (0, 0)>
module attributes {stable_mosaic.version = 14 : i64} {
  func.func @deg_kernel(%arg0: i32, %arg1: i32, %arg2: memref<32x79x128xi32, #tpu.memory_space<hbm>>, %arg3: memref<10112x16xf32, #tpu.memory_space<hbm>>, %arg4: memref<2x10112x16xf32, #tpu.memory_space<hbm>>, %arg5: memref<79x128xi32, #tpu.memory_space<vmem>>, %arg6: memref<128x16xf32, #tpu.memory_space<vmem>>, %arg7: memref<10112x16xf32, #tpu.memory_space<vmem_shared>>) attributes {dimension_semantics = [#tpu.dimension_semantics<core_parallel>, #tpu.dimension_semantics<subcore_parallel>], iteration_bounds = array<i64: 2, 16>, scalar_prefetch = 0 : i64, scratch_operands = 3 : i64, tpu.core_type = #tpu.core_type<sc_vector_subcore>, window_params = [{transform_indices = #map}, {transform_indices = #map1}, {transform_indices = #map}]} {
    %mul3A = arith.constant 2 : i32
    %mul3A_0 = arith.muli %arg1, %mul3A : i32
    %add3A = arith.addi %mul3A_0, %arg0 : i32
    %scan3A = arith.constant 0 : i32
    %scan3A_1 = arith.constant 128 : i32
    %scan3A_2 = arith.addi %scan3A, %scan3A_1 : i32
    %scan3A_3 = arith.constant 1 : i32
    scf.for %scan3A_13 = %scan3A to %scan3A_2 step %scan3A_3  : i32 {
      %mul3A_14 = arith.constant 1 : i32
      %mul3A_15 = arith.muli %scan3A_13, %mul3A_14 : i32
      %add3A_16 = arith.constant 0 : i32
      %add3A_17 = arith.addi %add3A_16, %mul3A_15 : i32
      %broadcast_in_dim3A = arith.constant 1.000000e+00 : f32
      %broadcast_in_dim3A_18 = vector.broadcast %broadcast_in_dim3A : f32 to vector<16xf32>
      %swap3A = arith.index_cast %add3A_17 : i32 to index
      %swap3A_19 = arith.constant 0 : index
      %swap3A_20 = tpu.vector_load %arg6[%swap3A, %swap3A_19] {strides = array<i32>} : memref<128x16xf32, #tpu.memory_space<vmem>>, vector<1x16xf32>,
      %swap3A_21 = vector.shape_cast %swap3A_20 : vector<1x16xf32> to vector<16xf32>
      %swap3A_22 = vector.shape_cast %broadcast_in_dim3A_18 : vector<16xf32> to vector<1x16xf32>
      tpu.vector_store %arg6[%swap3A, %swap3A_19], %swap3A_22 {strides = array<i32>} : memref<128x16xf32, #tpu.memory_space<vmem>>, vector<1x16xf32>,
    }
    %scan3A_4 = arith.constant 128 : i32
    %mul3A_5 = arith.constant 632 : i32
    %mul3A_6 = arith.muli %arg1, %mul3A_5 : i32
    "tpu.region"() ({
      %run_scoped3A = tpu.sem_alloc : memref<!tpu.dma_semaphore, #tpu.memory_space<semaphore_mem>>
      %dma_start3A = arith.constant 0 : i32
      %dma_start3A_13 = tpu.memref_slice %arg7[%mul3A_6, %dma_start3A] : memref<10112x16xf32, #tpu.memory_space<vmem_shared>> -> memref<632x16xf32, #tpu.memory_space<vmem_shared>>
      %dma_start3A_14 = arith.constant 0 : i32
      %dma_start3A_15 = tpu.memref_slice %arg3[%mul3A_6, %dma_start3A_14] : memref<10112x16xf32, #tpu.memory_space<hbm>> -> memref<632x16xf32, #tpu.memory_space<hbm>>
      tpu.enqueue_dma source(%dma_start3A_15 : memref<632x16xf32, #tpu.memory_space<hbm>>) target(%dma_start3A_13 : memref<632x16xf32, #tpu.memory_space<vmem_shared>>) target_semaphore(%run_scoped3A : memref<!tpu.dma_semaphore, #tpu.memory_space<semaphore_mem>>)
      %dma_wait3A = arith.constant 0 : i32
      %dma_wait3A_16 = tpu.memref_slice %arg7[%mul3A_6, %dma_wait3A] : memref<10112x16xf32, #tpu.memory_space<vmem_shared>> -> memref<632x16xf32, #tpu.memory_space<vmem_shared>>
      %dma_wait3A_17 = arith.constant 0 : i32
      %dma_wait3A_18 = tpu.memref_slice %arg3[%mul3A_6, %dma_wait3A_17] : memref<10112x16xf32, #tpu.memory_space<hbm>> -> memref<632x16xf32, #tpu.memory_space<hbm>>
      tpu.wait_dma2 semaphore(%run_scoped3A : memref<!tpu.dma_semaphore, #tpu.memory_space<semaphore_mem>>) src(%dma_wait3A_18 : memref<632x16xf32, #tpu.memory_space<hbm>>) dst(%dma_wait3A_16 : memref<632x16xf32, #tpu.memory_space<vmem_shared>>)
      tpu.yield
    }) : () -> ()
    %barrier3A = arith.constant 0 : index
    tpu.barrier barrier_id(%barrier3A)
    "tpu.region"() ({
      %run_scoped3A = tpu.sem_alloc : memref<!tpu.dma_semaphore, #tpu.memory_space<semaphore_mem>>
      %dma_start3A = arith.constant 0 : i32
      %dma_start3A_13 = arith.constant 0 : i32
      %dma_start3A_14 = tpu.memref_slice %arg2[%add3A, %dma_start3A, %dma_start3A_13] : memref<32x79x128xi32, #tpu.memory_space<hbm>> -> memref<1x79x128xi32, #tpu.memory_space<hbm>>
      %dma_start3A_15 = tpu.memref_squeeze %dma_start3A_14 : memref<1x79x128xi32, #tpu.memory_space<hbm>> -> memref<79x128xi32, #tpu.memory_space<hbm>>
      %dma_start3A_16 = arith.constant 0 : i32
      %dma_start3A_17 = arith.constant 0 : i32
      %dma_start3A_18 = tpu.memref_slice %arg2[%add3A, %dma_start3A_16, %dma_start3A_17] : memref<32x79x128xi32, #tpu.memory_space<hbm>> -> memref<1x79x128xi32, #tpu.memory_space<hbm>>
      %dma_start3A_19 = tpu.memref_squeeze %dma_start3A_18 : memref<1x79x128xi32, #tpu.memory_space<hbm>> -> memref<79x128xi32, #tpu.memory_space<hbm>>
      tpu.enqueue_dma source(%dma_start3A_19 : memref<79x128xi32, #tpu.memory_space<hbm>>) target(%arg5 : memref<79x128xi32, #tpu.memory_space<vmem>>) target_semaphore(%run_scoped3A : memref<!tpu.dma_semaphore, #tpu.memory_space<semaphore_mem>>)
      %dma_wait3A = arith.constant 0 : i32
      %dma_wait3A_20 = arith.constant 0 : i32
      %dma_wait3A_21 = tpu.memref_slice %arg2[%add3A, %dma_wait3A, %dma_wait3A_20] : memref<32x79x128xi32, #tpu.memory_space<hbm>> -> memref<1x79x128xi32, #tpu.memory_space<hbm>>
      %dma_wait3A_22 = tpu.memref_squeeze %dma_wait3A_21 : memref<1x79x128xi32, #tpu.memory_space<hbm>> -> memref<79x128xi32, #tpu.memory_space<hbm>>
      %dma_wait3A_23 = arith.constant 0 : i32
      %dma_wait3A_24 = arith.constant 0 : i32
      %dma_wait3A_25 = tpu.memref_slice %arg2[%add3A, %dma_wait3A_23, %dma_wait3A_24] : memref<32x79x128xi32, #tpu.memory_space<hbm>> -> memref<1x79x128xi32, #tpu.memory_space<hbm>>
      %dma_wait3A_26 = tpu.memref_squeeze %dma_wait3A_25 : memref<1x79x128xi32, #tpu.memory_space<hbm>> -> memref<79x128xi32, #tpu.memory_space<hbm>>
      tpu.wait_dma2 semaphore(%run_scoped3A : memref<!tpu.dma_semaphore, #tpu.memory_space<semaphore_mem>>) src(%dma_wait3A_26 : memref<79x128xi32, #tpu.memory_space<hbm>>) dst(%arg5 : memref<79x128xi32, #tpu.memory_space<vmem>>)
      tpu.yield
    }) : () -> ()
    %scan3A_7 = arith.constant 0 : i32
    %scan3A_8 = arith.constant 79 : i32
    %scan3A_9 = arith.addi %scan3A_7, %scan3A_8 : i32
    %scan3A_10 = arith.constant 1 : i32
    scf.for %scan3A_13 = %scan3A_7 to %scan3A_9 step %scan3A_10  : i32 {
      %mul3A_14 = arith.constant 1 : i32
      %mul3A_15 = arith.muli %scan3A_13, %mul3A_14 : i32
      %add3A_16 = arith.constant 0 : i32
      %add3A_17 = arith.addi %add3A_16, %mul3A_15 : i32
      "tpu.region"() ({
        %run_scoped3A = tpu.sem_alloc : memref<!tpu.dma_semaphore, #tpu.memory_space<semaphore_mem>>
        %dma_start3A = arith.constant 0 : i32
        %dma_start3A_18 = tpu.memref_slice %arg5[%add3A_17, %dma_start3A] : memref<79x128xi32, #tpu.memory_space<vmem>> -> memref<1x128xi32, #tpu.memory_space<vmem>>
        %dma_start3A_19 = tpu.memref_squeeze %dma_start3A_18 : memref<1x128xi32, #tpu.memory_space<vmem>> -> memref<128xi32, #tpu.memory_space<vmem>>
        %dma_start3A_20 = arith.constant 0 : i32
        %dma_start3A_21 = arith.constant 0 : i32
        %dma_start3A_22 = tpu.memref_slice %arg7[%dma_start3A_20, %dma_start3A_21] : memref<10112x16xf32, #tpu.memory_space<vmem_shared>> -> memref<10112x16xf32, #tpu.memory_space<vmem_shared>>
        tpu.enqueue_indirect_dma source(%arg6 : memref<128x16xf32, #tpu.memory_space<vmem>>) target(%dma_start3A_22 : memref<10112x16xf32, #tpu.memory_space<vmem_shared>>) offsets(%dma_start3A_19 : memref<128xi32, #tpu.memory_space<vmem>>) semaphore(%run_scoped3A : memref<!tpu.dma_semaphore, #tpu.memory_space<semaphore_mem>>) {add = true}
        %dma_wait3A = arith.constant 0 : i32
        %dma_wait3A_23 = tpu.memref_slice %arg5[%add3A_17, %dma_wait3A] : memref<79x128xi32, #tpu.memory_space<vmem>> -> memref<1x128xi32, #tpu.memory_space<vmem>>
        %dma_wait3A_24 = tpu.memref_squeeze %dma_wait3A_23 : memref<1x128xi32, #tpu.memory_space<vmem>> -> memref<128xi32, #tpu.memory_space<vmem>>
        %dma_wait3A_25 = arith.constant 0 : i32
        %dma_wait3A_26 = arith.constant 0 : i32
        %dma_wait3A_27 = tpu.memref_slice %arg7[%dma_wait3A_25, %dma_wait3A_26] : memref<10112x16xf32, #tpu.memory_space<vmem_shared>> -> memref<10112x16xf32, #tpu.memory_space<vmem_shared>>
        tpu.wait_indirect_dma semaphore(%run_scoped3A : memref<!tpu.dma_semaphore, #tpu.memory_space<semaphore_mem>>) src(%arg6 : memref<128x16xf32, #tpu.memory_space<vmem>>) dst(%dma_wait3A_27 : memref<10112x16xf32, #tpu.memory_space<vmem_shared>>)
        tpu.yield
      }) : () -> ()
    }
    %scan3A_11 = arith.constant 79 : i32
    %barrier3A_12 = arith.constant 0 : index
    tpu.barrier barrier_id(%barrier3A_12)
    "tpu.region"() ({
      %run_scoped3A = tpu.sem_alloc : memref<!tpu.dma_semaphore, #tpu.memory_space<semaphore_mem>>
      %dma_start3A = arith.constant 0 : i32
      %dma_start3A_13 = arith.constant 0 : i32
      %dma_start3A_14 = tpu.memref_slice %arg4[%arg0, %dma_start3A, %dma_start3A_13] : memref<2x10112x16xf32, #tpu.memory_space<hbm>> -> memref<1x10112x16xf32, #tpu.memory_space<hbm>>
      %dma_start3A_15 = tpu.memref_squeeze %dma_start3A_14 : memref<1x10112x16xf32, #tpu.memory_space<hbm>> -> memref<10112x16xf32, #tpu.memory_space<hbm>>
      %dma_start3A_16 = arith.constant 0 : i32
      %dma_start3A_17 = tpu.memref_slice %dma_start3A_15[%mul3A_6, %dma_start3A_16] : memref<10112x16xf32, #tpu.memory_space<hbm>> -> memref<632x16xf32, #tpu.memory_space<hbm>>
      %dma_start3A_18 = arith.constant 0 : i32
      %dma_start3A_19 = tpu.memref_slice %arg7[%mul3A_6, %dma_start3A_18] : memref<10112x16xf32, #tpu.memory_space<vmem_shared>> -> memref<632x16xf32, #tpu.memory_space<vmem_shared>>
      tpu.enqueue_dma source(%dma_start3A_19 : memref<632x16xf32, #tpu.memory_space<vmem_shared>>) target(%dma_start3A_17 : memref<632x16xf32, #tpu.memory_space<hbm>>) target_semaphore(%run_scoped3A : memref<!tpu.dma_semaphore, #tpu.memory_space<semaphore_mem>>)
      %dma_wait3A = arith.constant 0 : i32
      %dma_wait3A_20 = arith.constant 0 : i32
      %dma_wait3A_21 = tpu.memref_slice %arg4[%arg0, %dma_wait3A, %dma_wait3A_20] : memref<2x10112x16xf32, #tpu.memory_space<hbm>> -> memref<1x10112x16xf32, #tpu.memory_space<hbm>>
      %dma_wait3A_22 = tpu.memref_squeeze %dma_wait3A_21 : memref<1x10112x16xf32, #tpu.memory_space<hbm>> -> memref<10112x16xf32, #tpu.memory_space<hbm>>
      %dma_wait3A_23 = arith.constant 0 : i32
      %dma_wait3A_24 = tpu.memref_slice %dma_wait3A_22[%mul3A_6, %dma_wait3A_23] : memref<10112x16xf32, #tpu.memory_space<hbm>> -> memref<632x16xf32, #tpu.memory_space<hbm>>
      %dma_wait3A_25 = arith.constant 0 : i32
      %dma_wait3A_26 = tpu.memref_slice %arg7[%mul3A_6, %dma_wait3A_25] : memref<10112x16xf32, #tpu.memory_space<vmem_shared>> -> memref<632x16xf32, #tpu.memory_space<vmem_shared>>
      tpu.wait_dma2 semaphore(%run_scoped3A : memref<!tpu.dma_semaphore, #tpu.memory_space<semaphore_mem>>) src(%dma_wait3A_26 : memref<632x16xf32, #tpu.memory_space<vmem_shared>>) dst(%dma_wait3A_24 : memref<632x16xf32, #tpu.memory_space<hbm>>)
      tpu.yield
    }) : () -> ()
    return
  }
}

#map = affine_map<(d0, d1) -> (0, 0)>
#map1 = affine_map<(d0, d1) -> (0, 0, 0)>
module attributes {stable_mosaic.version = 14 : i64} {
  func.func @scat_kernel(%arg0: i32, %arg1: i32, %arg2: memref<10000x128xf32, #tpu.memory_space<hbm>>, %arg3: memref<32x79x128xi32, #tpu.memory_space<hbm>>, %arg4: memref<32x79x128xi32, #tpu.memory_space<hbm>>, %arg5: memref<2x10112x128xf32, #tpu.memory_space<hbm>>, %arg6: memref<79x128xi32, #tpu.memory_space<vmem>>, %arg7: memref<79x128xi32, #tpu.memory_space<vmem>>, %arg8: memref<128x128xf32, #tpu.memory_space<vmem>>, %arg9: memref<10112x128xf32, #tpu.memory_space<vmem_shared>>, %arg10: memref<!tpu.dma_semaphore, #tpu.memory_space<semaphore_mem>>, %arg11: memref<!tpu.dma_semaphore, #tpu.memory_space<semaphore_mem>>) attributes {dimension_semantics = [#tpu.dimension_semantics<core_parallel>, #tpu.dimension_semantics<subcore_parallel>], iteration_bounds = array<i64: 2, 16>, scalar_prefetch = 0 : i64, scratch_operands = 6 : i64, tpu.core_type = #tpu.core_type<sc_vector_subcore>, window_params = [{transform_indices = #map}, {transform_indices = #map1}, {transform_indices = #map1}, {transform_indices = #map1}]} {
    %mul3A = arith.constant 2 : i32
    %mul3A_0 = arith.muli %arg1, %mul3A : i32
    %add3A = arith.addi %mul3A_0, %arg0 : i32
    %scan3A = arith.constant 0 : i32
    %scan3A_1 = arith.constant 128 : i32
    %scan3A_2 = arith.addi %scan3A, %scan3A_1 : i32
    %scan3A_3 = arith.constant 1 : i32
    scf.for %scan3A_83 = %scan3A to %scan3A_2 step %scan3A_3  : i32 {
      %mul3A_84 = arith.constant 1 : i32
      %mul3A_85 = arith.muli %scan3A_83, %mul3A_84 : i32
      %add3A_86 = arith.constant 0 : i32
      %add3A_87 = arith.addi %add3A_86, %mul3A_85 : i32
      %broadcast_in_dim3A = arith.constant 0.000000e+00 : f32
      %broadcast_in_dim3A_88 = vector.broadcast %broadcast_in_dim3A : f32 to vector<16xf32>
      %swap3A = arith.index_cast %add3A_87 : i32 to index
      %swap3A_89 = arith.constant 0 : index
      %swap3A_90 = tpu.vector_load %arg8[%swap3A, %swap3A_89] {strides = array<i32>} : memref<128x128xf32, #tpu.memory_space<vmem>>, vector<1x16xf32>,
      %swap3A_91 = vector.shape_cast %swap3A_90 : vector<1x16xf32> to vector<16xf32>
      %swap3A_92 = vector.shape_cast %broadcast_in_dim3A_88 : vector<16xf32> to vector<1x16xf32>
      tpu.vector_store %arg8[%swap3A, %swap3A_89], %swap3A_92 {strides = array<i32>} : memref<128x128xf32, #tpu.memory_space<vmem>>, vector<1x16xf32>,
      %broadcast_in_dim3A_93 = arith.constant 0.000000e+00 : f32
      %broadcast_in_dim3A_94 = vector.broadcast %broadcast_in_dim3A_93 : f32 to vector<16xf32>
      %swap3A_95 = arith.index_cast %add3A_87 : i32 to index
      %swap3A_96 = arith.constant 16 : index
      %swap3A_97 = tpu.vector_load %arg8[%swap3A_95, %swap3A_96] {strides = array<i32>} : memref<128x128xf32, #tpu.memory_space<vmem>>, vector<1x16xf32>,
      %swap3A_98 = vector.shape_cast %swap3A_97 : vector<1x16xf32> to vector<16xf32>
      %swap3A_99 = vector.shape_cast %broadcast_in_dim3A_94 : vector<16xf32> to vector<1x16xf32>
      tpu.vector_store %arg8[%swap3A_95, %swap3A_96], %swap3A_99 {strides = array<i32>} : memref<128x128xf32, #tpu.memory_space<vmem>>, vector<1x16xf32>,
      %broadcast_in_dim3A_100 = arith.constant 0.000000e+00 : f32
      %broadcast_in_dim3A_101 = vector.broadcast %broadcast_in_dim3A_100 : f32 to vector<16xf32>
      %swap3A_102 = arith.index_cast %add3A_87 : i32 to index
      %swap3A_103 = arith.constant 32 : index
      %swap3A_104 = tpu.vector_load %arg8[%swap3A_102, %swap3A_103] {strides = array<i32>} : memref<128x128xf32, #tpu.memory_space<vmem>>, vector<1x16xf32>,
      %swap3A_105 = vector.shape_cast %swap3A_104 : vector<1x16xf32> to vector<16xf32>
      %swap3A_106 = vector.shape_cast %broadcast_in_dim3A_101 : vector<16xf32> to vector<1x16xf32>
      tpu.vector_store %arg8[%swap3A_102, %swap3A_103], %swap3A_106 {strides = array<i32>} : memref<128x128xf32, #tpu.memory_space<vmem>>, vector<1x16xf32>,
      %broadcast_in_dim3A_107 = arith.constant 0.000000e+00 : f32
      %broadcast_in_dim3A_108 = vector.broadcast %broadcast_in_dim3A_107 : f32 to vector<16xf32>
      %swap3A_109 = arith.index_cast %add3A_87 : i32 to index
      %swap3A_110 = arith.constant 48 : index
      %swap3A_111 = tpu.vector_load %arg8[%swap3A_109, %swap3A_110] {strides = array<i32>} : memref<128x128xf32, #tpu.memory_space<vmem>>, vector<1x16xf32>,
      %swap3A_112 = vector.shape_cast %swap3A_111 : vector<1x16xf32> to vector<16xf32>
      %swap3A_113 = vector.shape_cast %broadcast_in_dim3A_108 : vector<16xf32> to vector<1x16xf32>
      tpu.vector_store %arg8[%swap3A_109, %swap3A_110], %swap3A_113 {strides = array<i32>} : memref<128x128xf32, #tpu.memory_space<vmem>>, vector<1x16xf32>,
      %broadcast_in_dim3A_114 = arith.constant 0.000000e+00 : f32
      %broadcast_in_dim3A_115 = vector.broadcast %broadcast_in_dim3A_114 : f32 to vector<16xf32>
      %swap3A_116 = arith.index_cast %add3A_87 : i32 to index
      %swap3A_117 = arith.constant 64 : index
      %swap3A_118 = tpu.vector_load %arg8[%swap3A_116, %swap3A_117] {strides = array<i32>} : memref<128x128xf32, #tpu.memory_space<vmem>>, vector<1x16xf32>,
      %swap3A_119 = vector.shape_cast %swap3A_118 : vector<1x16xf32> to vector<16xf32>
      %swap3A_120 = vector.shape_cast %broadcast_in_dim3A_115 : vector<16xf32> to vector<1x16xf32>
      tpu.vector_store %arg8[%swap3A_116, %swap3A_117], %swap3A_120 {strides = array<i32>} : memref<128x128xf32, #tpu.memory_space<vmem>>, vector<1x16xf32>,
      %broadcast_in_dim3A_121 = arith.constant 0.000000e+00 : f32
      %broadcast_in_dim3A_122 = vector.broadcast %broadcast_in_dim3A_121 : f32 to vector<16xf32>
      %swap3A_123 = arith.index_cast %add3A_87 : i32 to index
      %swap3A_124 = arith.constant 80 : index
      %swap3A_125 = tpu.vector_load %arg8[%swap3A_123, %swap3A_124] {strides = array<i32>} : memref<128x128xf32, #tpu.memory_space<vmem>>, vector<1x16xf32>,
      %swap3A_126 = vector.shape_cast %swap3A_125 : vector<1x16xf32> to vector<16xf32>
      %swap3A_127 = vector.shape_cast %broadcast_in_dim3A_122 : vector<16xf32> to vector<1x16xf32>
      tpu.vector_store %arg8[%swap3A_123, %swap3A_124], %swap3A_127 {strides = array<i32>} : memref<128x128xf32, #tpu.memory_space<vmem>>, vector<1x16xf32>,
      %broadcast_in_dim3A_128 = arith.constant 0.000000e+00 : f32
      %broadcast_in_dim3A_129 = vector.broadcast %broadcast_in_dim3A_128 : f32 to vector<16xf32>
      %swap3A_130 = arith.index_cast %add3A_87 : i32 to index
      %swap3A_131 = arith.constant 96 : index
      %swap3A_132 = tpu.vector_load %arg8[%swap3A_130, %swap3A_131] {strides = array<i32>} : memref<128x128xf32, #tpu.memory_space<vmem>>, vector<1x16xf32>,
      %swap3A_133 = vector.shape_cast %swap3A_132 : vector<1x16xf32> to vector<16xf32>
      %swap3A_134 = vector.shape_cast %broadcast_in_dim3A_129 : vector<16xf32> to vector<1x16xf32>
      tpu.vector_store %arg8[%swap3A_130, %swap3A_131], %swap3A_134 {strides = array<i32>} : memref<128x128xf32, #tpu.memory_space<vmem>>, vector<1x16xf32>,
      %broadcast_in_dim3A_135 = arith.constant 0.000000e+00 : f32
      %broadcast_in_dim3A_136 = vector.broadcast %broadcast_in_dim3A_135 : f32 to vector<16xf32>
      %swap3A_137 = arith.index_cast %add3A_87 : i32 to index
      %swap3A_138 = arith.constant 112 : index
      %swap3A_139 = tpu.vector_load %arg8[%swap3A_137, %swap3A_138] {strides = array<i32>} : memref<128x128xf32, #tpu.memory_space<vmem>>, vector<1x16xf32>,
      %swap3A_140 = vector.shape_cast %swap3A_139 : vector<1x16xf32> to vector<16xf32>
      %swap3A_141 = vector.shape_cast %broadcast_in_dim3A_136 : vector<16xf32> to vector<1x16xf32>
      tpu.vector_store %arg8[%swap3A_137, %swap3A_138], %swap3A_141 {strides = array<i32>} : memref<128x128xf32, #tpu.memory_space<vmem>>, vector<1x16xf32>,
    }
    %scan3A_4 = arith.constant 128 : i32
    %mul3A_5 = arith.constant 632 : i32
    %mul3A_6 = arith.muli %arg1, %mul3A_5 : i32
    %add3A_7 = arith.constant 0 : i32
    %add3A_8 = arith.addi %mul3A_6, %add3A_7 : i32
    %dma_start3A = arith.constant 0 : i32
    %dma_start3A_9 = tpu.memref_slice %arg9[%add3A_8, %dma_start3A] : memref<10112x128xf32, #tpu.memory_space<vmem_shared>> -> memref<128x128xf32, #tpu.memory_space<vmem_shared>>
    %dma_start3A_10 = arith.constant 0 : i32
    %dma_start3A_11 = tpu.memref_slice %arg9[%add3A_8, %dma_start3A_10] : memref<10112x128xf32, #tpu.memory_space<vmem_shared>> -> memref<128x128xf32, #tpu.memory_space<vmem_shared>>
    tpu.enqueue_dma source(%arg8 : memref<128x128xf32, #tpu.memory_space<vmem>>) target(%dma_start3A_11 : memref<128x128xf32, #tpu.memory_space<vmem_shared>>) target_semaphore(%arg11 : memref<!tpu.dma_semaphore, #tpu.memory_space<semaphore_mem>>)
    %add3A_12 = arith.constant 128 : i32
    %add3A_13 = arith.addi %mul3A_6, %add3A_12 : i32
    %dma_start3A_14 = arith.constant 0 : i32
    %dma_start3A_15 = tpu.memref_slice %arg9[%add3A_13, %dma_start3A_14] : memref<10112x128xf32, #tpu.memory_space<vmem_shared>> -> memref<128x128xf32, #tpu.memory_space<vmem_shared>>
    %dma_start3A_16 = arith.constant 0 : i32
    %dma_start3A_17 = tpu.memref_slice %arg9[%add3A_13, %dma_start3A_16] : memref<10112x128xf32, #tpu.memory_space<vmem_shared>> -> memref<128x128xf32, #tpu.memory_space<vmem_shared>>
    tpu.enqueue_dma source(%arg8 : memref<128x128xf32, #tpu.memory_space<vmem>>) target(%dma_start3A_17 : memref<128x128xf32, #tpu.memory_space<vmem_shared>>) target_semaphore(%arg11 : memref<!tpu.dma_semaphore, #tpu.memory_space<semaphore_mem>>)
    %add3A_18 = arith.constant 256 : i32
    %add3A_19 = arith.addi %mul3A_6, %add3A_18 : i32
    %dma_start3A_20 = arith.constant 0 : i32
    %dma_start3A_21 = tpu.memref_slice %arg9[%add3A_19, %dma_start3A_20] : memref<10112x128xf32, #tpu.memory_space<vmem_shared>> -> memref<128x128xf32, #tpu.memory_space<vmem_shared>>
    %dma_start3A_22 = arith.constant 0 : i32
    %dma_start3A_23 = tpu.memref_slice %arg9[%add3A_19, %dma_start3A_22] : memref<10112x128xf32, #tpu.memory_space<vmem_shared>> -> memref<128x128xf32, #tpu.memory_space<vmem_shared>>
    tpu.enqueue_dma source(%arg8 : memref<128x128xf32, #tpu.memory_space<vmem>>) target(%dma_start3A_23 : memref<128x128xf32, #tpu.memory_space<vmem_shared>>) target_semaphore(%arg11 : memref<!tpu.dma_semaphore, #tpu.memory_space<semaphore_mem>>)
    %add3A_24 = arith.constant 384 : i32
    %add3A_25 = arith.addi %mul3A_6, %add3A_24 : i32
    %dma_start3A_26 = arith.constant 0 : i32
    %dma_start3A_27 = tpu.memref_slice %arg9[%add3A_25, %dma_start3A_26] : memref<10112x128xf32, #tpu.memory_space<vmem_shared>> -> memref<128x128xf32, #tpu.memory_space<vmem_shared>>
    %dma_start3A_28 = arith.constant 0 : i32
    %dma_start3A_29 = tpu.memref_slice %arg9[%add3A_25, %dma_start3A_28] : memref<10112x128xf32, #tpu.memory_space<vmem_shared>> -> memref<128x128xf32, #tpu.memory_space<vmem_shared>>
    tpu.enqueue_dma source(%arg8 : memref<128x128xf32, #tpu.memory_space<vmem>>) target(%dma_start3A_29 : memref<128x128xf32, #tpu.memory_space<vmem_shared>>) target_semaphore(%arg11 : memref<!tpu.dma_semaphore, #tpu.memory_space<semaphore_mem>>)
    %add3A_30 = arith.constant 512 : i32
    %add3A_31 = arith.addi %mul3A_6, %add3A_30 : i32
    %dma_start3A_32 = arith.constant 0 : i32
    %dma_start3A_33 = arith.constant 0 : i32
    %dma_start3A_34 = tpu.memref_slice %arg8[%dma_start3A_32, %dma_start3A_33] : memref<128x128xf32, #tpu.memory_space<vmem>> -> memref<120x128xf32, #tpu.memory_space<vmem>>
    %dma_start3A_35 = arith.constant 0 : i32
    %dma_start3A_36 = tpu.memref_slice %arg9[%add3A_31, %dma_start3A_35] : memref<10112x128xf32, #tpu.memory_space<vmem_shared>> -> memref<120x128xf32, #tpu.memory_space<vmem_shared>>
    %dma_start3A_37 = arith.constant 0 : i32
    %dma_start3A_38 = tpu.memref_slice %arg9[%add3A_31, %dma_start3A_37] : memref<10112x128xf32, #tpu.memory_space<vmem_shared>> -> memref<120x128xf32, #tpu.memory_space<vmem_shared>>
    %dma_start3A_39 = arith.constant 0 : i32
    %dma_start3A_40 = arith.constant 0 : i32
    %dma_start3A_41 = tpu.memref_slice %arg8[%dma_start3A_39, %dma_start3A_40] : memref<128x128xf32, #tpu.memory_space<vmem>> -> memref<120x128xf32, #tpu.memory_space<vmem>>
    tpu.enqueue_dma source(%dma_start3A_41 : memref<120x128xf32, #tpu.memory_space<vmem>>) target(%dma_start3A_38 : memref<120x128xf32, #tpu.memory_space<vmem_shared>>) target_semaphore(%arg11 : memref<!tpu.dma_semaphore, #tpu.memory_space<semaphore_mem>>)
    "tpu.region"() ({
      %run_scoped3A = tpu.sem_alloc : memref<!tpu.dma_semaphore, #tpu.memory_space<semaphore_mem>>
      %dma_start3A_83 = arith.constant 0 : i32
      %dma_start3A_84 = arith.constant 0 : i32
      %dma_start3A_85 = tpu.memref_slice %arg3[%add3A, %dma_start3A_83, %dma_start3A_84] : memref<32x79x128xi32, #tpu.memory_space<hbm>> -> memref<1x79x128xi32, #tpu.memory_space<hbm>>
      %dma_start3A_86 = tpu.memref_squeeze %dma_start3A_85 : memref<1x79x128xi32, #tpu.memory_space<hbm>> -> memref<79x128xi32, #tpu.memory_space<hbm>>
      %dma_start3A_87 = arith.constant 0 : i32
      %dma_start3A_88 = arith.constant 0 : i32
      %dma_start3A_89 = tpu.memref_slice %arg3[%add3A, %dma_start3A_87, %dma_start3A_88] : memref<32x79x128xi32, #tpu.memory_space<hbm>> -> memref<1x79x128xi32, #tpu.memory_space<hbm>>
      %dma_start3A_90 = tpu.memref_squeeze %dma_start3A_89 : memref<1x79x128xi32, #tpu.memory_space<hbm>> -> memref<79x128xi32, #tpu.memory_space<hbm>>
      tpu.enqueue_dma source(%dma_start3A_90 : memref<79x128xi32, #tpu.memory_space<hbm>>) target(%arg6 : memref<79x128xi32, #tpu.memory_space<vmem>>) target_semaphore(%run_scoped3A : memref<!tpu.dma_semaphore, #tpu.memory_space<semaphore_mem>>)
      %dma_wait3A_91 = arith.constant 0 : i32
      %dma_wait3A_92 = arith.constant 0 : i32
      %dma_wait3A_93 = tpu.memref_slice %arg3[%add3A, %dma_wait3A_91, %dma_wait3A_92] : memref<32x79x128xi32, #tpu.memory_space<hbm>> -> memref<1x79x128xi32, #tpu.memory_space<hbm>>
      %dma_wait3A_94 = tpu.memref_squeeze %dma_wait3A_93 : memref<1x79x128xi32, #tpu.memory_space<hbm>> -> memref<79x128xi32, #tpu.memory_space<hbm>>
      %dma_wait3A_95 = arith.constant 0 : i32
      %dma_wait3A_96 = arith.constant 0 : i32
      %dma_wait3A_97 = tpu.memref_slice %arg3[%add3A, %dma_wait3A_95, %dma_wait3A_96] : memref<32x79x128xi32, #tpu.memory_space<hbm>> -> memref<1x79x128xi32, #tpu.memory_space<hbm>>
      %dma_wait3A_98 = tpu.memref_squeeze %dma_wait3A_97 : memref<1x79x128xi32, #tpu.memory_space<hbm>> -> memref<79x128xi32, #tpu.memory_space<hbm>>
      tpu.wait_dma2 semaphore(%run_scoped3A : memref<!tpu.dma_semaphore, #tpu.memory_space<semaphore_mem>>) src(%dma_wait3A_98 : memref<79x128xi32, #tpu.memory_space<hbm>>) dst(%arg6 : memref<79x128xi32, #tpu.memory_space<vmem>>)
      tpu.yield
    }) : () -> ()
    "tpu.region"() ({
      %run_scoped3A = tpu.sem_alloc : memref<!tpu.dma_semaphore, #tpu.memory_space<semaphore_mem>>
      %dma_start3A_83 = arith.constant 0 : i32
      %dma_start3A_84 = arith.constant 0 : i32
      %dma_start3A_85 = tpu.memref_slice %arg4[%add3A, %dma_start3A_83, %dma_start3A_84] : memref<32x79x128xi32, #tpu.memory_space<hbm>> -> memref<1x79x128xi32, #tpu.memory_space<hbm>>
      %dma_start3A_86 = tpu.memref_squeeze %dma_start3A_85 : memref<1x79x128xi32, #tpu.memory_space<hbm>> -> memref<79x128xi32, #tpu.memory_space<hbm>>
      %dma_start3A_87 = arith.constant 0 : i32
      %dma_start3A_88 = arith.constant 0 : i32
      %dma_start3A_89 = tpu.memref_slice %arg4[%add3A, %dma_start3A_87, %dma_start3A_88] : memref<32x79x128xi32, #tpu.memory_space<hbm>> -> memref<1x79x128xi32, #tpu.memory_space<hbm>>
      %dma_start3A_90 = tpu.memref_squeeze %dma_start3A_89 : memref<1x79x128xi32, #tpu.memory_space<hbm>> -> memref<79x128xi32, #tpu.memory_space<hbm>>
      tpu.enqueue_dma source(%dma_start3A_90 : memref<79x128xi32, #tpu.memory_space<hbm>>) target(%arg7 : memref<79x128xi32, #tpu.memory_space<vmem>>) target_semaphore(%run_scoped3A : memref<!tpu.dma_semaphore, #tpu.memory_space<semaphore_mem>>)
      %dma_wait3A_91 = arith.constant 0 : i32
      %dma_wait3A_92 = arith.constant 0 : i32
      %dma_wait3A_93 = tpu.memref_slice %arg4[%add3A, %dma_wait3A_91, %dma_wait3A_92] : memref<32x79x128xi32, #tpu.memory_space<hbm>> -> memref<1x79x128xi32, #tpu.memory_space<hbm>>
      %dma_wait3A_94 = tpu.memref_squeeze %dma_wait3A_93 : memref<1x79x128xi32, #tpu.memory_space<hbm>> -> memref<79x128xi32, #tpu.memory_space<hbm>>
      %dma_wait3A_95 = arith.constant 0 : i32
      %dma_wait3A_96 = arith.constant 0 : i32
      %dma_wait3A_97 = tpu.memref_slice %arg4[%add3A, %dma_wait3A_95, %dma_wait3A_96] : memref<32x79x128xi32, #tpu.memory_space<hbm>> -> memref<1x79x128xi32, #tpu.memory_space<hbm>>
      %dma_wait3A_98 = tpu.memref_squeeze %dma_wait3A_97 : memref<1x79x128xi32, #tpu.memory_space<hbm>> -> memref<79x128xi32, #tpu.memory_space<hbm>>
      tpu.wait_dma2 semaphore(%run_scoped3A : memref<!tpu.dma_semaphore, #tpu.memory_space<semaphore_mem>>) src(%dma_wait3A_98 : memref<79x128xi32, #tpu.memory_space<hbm>>) dst(%arg7 : memref<79x128xi32, #tpu.memory_space<vmem>>)
      tpu.yield
    }) : () -> ()
    %add3A_42 = arith.constant 0 : i32
    %add3A_43 = arith.addi %mul3A_6, %add3A_42 : i32
    %dma_wait3A = arith.constant 0 : i32
    %dma_wait3A_44 = tpu.memref_slice %arg9[%add3A_43, %dma_wait3A] : memref<10112x128xf32, #tpu.memory_space<vmem_shared>> -> memref<128x128xf32, #tpu.memory_space<vmem_shared>>
    %dma_wait3A_45 = arith.constant 0 : i32
    %dma_wait3A_46 = tpu.memref_slice %arg9[%add3A_43, %dma_wait3A_45] : memref<10112x128xf32, #tpu.memory_space<vmem_shared>> -> memref<128x128xf32, #tpu.memory_space<vmem_shared>>
    tpu.wait_dma2 semaphore(%arg11 : memref<!tpu.dma_semaphore, #tpu.memory_space<semaphore_mem>>) src(%arg8 : memref<128x128xf32, #tpu.memory_space<vmem>>) dst(%dma_wait3A_46 : memref<128x128xf32, #tpu.memory_space<vmem_shared>>)
    %add3A_47 = arith.constant 128 : i32
    %add3A_48 = arith.addi %mul3A_6, %add3A_47 : i32
    %dma_wait3A_49 = arith.constant 0 : i32
    %dma_wait3A_50 = tpu.memref_slice %arg9[%add3A_48, %dma_wait3A_49] : memref<10112x128xf32, #tpu.memory_space<vmem_shared>> -> memref<128x128xf32, #tpu.memory_space<vmem_shared>>
    %dma_wait3A_51 = arith.constant 0 : i32
    %dma_wait3A_52 = tpu.memref_slice %arg9[%add3A_48, %dma_wait3A_51] : memref<10112x128xf32, #tpu.memory_space<vmem_shared>> -> memref<128x128xf32, #tpu.memory_space<vmem_shared>>
    tpu.wait_dma2 semaphore(%arg11 : memref<!tpu.dma_semaphore, #tpu.memory_space<semaphore_mem>>) src(%arg8 : memref<128x128xf32, #tpu.memory_space<vmem>>) dst(%dma_wait3A_52 : memref<128x128xf32, #tpu.memory_space<vmem_shared>>)
    %add3A_53 = arith.constant 256 : i32
    %add3A_54 = arith.addi %mul3A_6, %add3A_53 : i32
    %dma_wait3A_55 = arith.constant 0 : i32
    %dma_wait3A_56 = tpu.memref_slice %arg9[%add3A_54, %dma_wait3A_55] : memref<10112x128xf32, #tpu.memory_space<vmem_shared>> -> memref<128x128xf32, #tpu.memory_space<vmem_shared>>
    %dma_wait3A_57 = arith.constant 0 : i32
    %dma_wait3A_58 = tpu.memref_slice %arg9[%add3A_54, %dma_wait3A_57] : memref<10112x128xf32, #tpu.memory_space<vmem_shared>> -> memref<128x128xf32, #tpu.memory_space<vmem_shared>>
    tpu.wait_dma2 semaphore(%arg11 : memref<!tpu.dma_semaphore, #tpu.memory_space<semaphore_mem>>) src(%arg8 : memref<128x128xf32, #tpu.memory_space<vmem>>) dst(%dma_wait3A_58 : memref<128x128xf32, #tpu.memory_space<vmem_shared>>)
    %add3A_59 = arith.constant 384 : i32
    %add3A_60 = arith.addi %mul3A_6, %add3A_59 : i32
    %dma_wait3A_61 = arith.constant 0 : i32
    %dma_wait3A_62 = tpu.memref_slice %arg9[%add3A_60, %dma_wait3A_61] : memref<10112x128xf32, #tpu.memory_space<vmem_shared>> -> memref<128x128xf32, #tpu.memory_space<vmem_shared>>
    %dma_wait3A_63 = arith.constant 0 : i32
    %dma_wait3A_64 = tpu.memref_slice %arg9[%add3A_60, %dma_wait3A_63] : memref<10112x128xf32, #tpu.memory_space<vmem_shared>> -> memref<128x128xf32, #tpu.memory_space<vmem_shared>>
    tpu.wait_dma2 semaphore(%arg11 : memref<!tpu.dma_semaphore, #tpu.memory_space<semaphore_mem>>) src(%arg8 : memref<128x128xf32, #tpu.memory_space<vmem>>) dst(%dma_wait3A_64 : memref<128x128xf32, #tpu.memory_space<vmem_shared>>)
    %add3A_65 = arith.constant 512 : i32
    %add3A_66 = arith.addi %mul3A_6, %add3A_65 : i32
    %dma_wait3A_67 = arith.constant 0 : i32
    %dma_wait3A_68 = arith.constant 0 : i32
    %dma_wait3A_69 = tpu.memref_slice %arg8[%dma_wait3A_67, %dma_wait3A_68] : memref<128x128xf32, #tpu.memory_space<vmem>> -> memref<120x128xf32, #tpu.memory_space<vmem>>
    %dma_wait3A_70 = arith.constant 0 : i32
    %dma_wait3A_71 = tpu.memref_slice %arg9[%add3A_66, %dma_wait3A_70] : memref<10112x128xf32, #tpu.memory_space<vmem_shared>> -> memref<120x128xf32, #tpu.memory_space<vmem_shared>>
    %dma_wait3A_72 = arith.constant 0 : i32
    %dma_wait3A_73 = tpu.memref_slice %arg9[%add3A_66, %dma_wait3A_72] : memref<10112x128xf32, #tpu.memory_space<vmem_shared>> -> memref<120x128xf32, #tpu.memory_space<vmem_shared>>
    %dma_wait3A_74 = arith.constant 0 : i32
    %dma_wait3A_75 = arith.constant 0 : i32
    %dma_wait3A_76 = tpu.memref_slice %arg8[%dma_wait3A_74, %dma_wait3A_75] : memref<128x128xf32, #tpu.memory_space<vmem>> -> memref<120x128xf32, #tpu.memory_space<vmem>>
    tpu.wait_dma2 semaphore(%arg11 : memref<!tpu.dma_semaphore, #tpu.memory_space<semaphore_mem>>) src(%dma_wait3A_76 : memref<120x128xf32, #tpu.memory_space<vmem>>) dst(%dma_wait3A_73 : memref<120x128xf32, #tpu.memory_space<vmem_shared>>)
    %barrier3A = arith.constant 0 : index
    tpu.barrier barrier_id(%barrier3A)
    %scan3A_77 = arith.constant 0 : i32
    %scan3A_78 = arith.constant 79 : i32
    %scan3A_79 = arith.addi %scan3A_77, %scan3A_78 : i32
    %scan3A_80 = arith.constant 1 : i32
    scf.for %scan3A_83 = %scan3A_77 to %scan3A_79 step %scan3A_80  : i32 {
      %mul3A_84 = arith.constant 1 : i32
      %mul3A_85 = arith.muli %scan3A_83, %mul3A_84 : i32
      %add3A_86 = arith.constant 0 : i32
      %add3A_87 = arith.addi %add3A_86, %mul3A_85 : i32
      %dma_start3A_88 = arith.constant 0 : i32
      %dma_start3A_89 = tpu.memref_slice %arg6[%add3A_87, %dma_start3A_88] : memref<79x128xi32, #tpu.memory_space<vmem>> -> memref<1x128xi32, #tpu.memory_space<vmem>>
      %dma_start3A_90 = tpu.memref_squeeze %dma_start3A_89 : memref<1x128xi32, #tpu.memory_space<vmem>> -> memref<128xi32, #tpu.memory_space<vmem>>
      %dma_start3A_91 = arith.constant 0 : i32
      %dma_start3A_92 = arith.constant 0 : i32
      %dma_start3A_93 = tpu.memref_slice %arg2[%dma_start3A_91, %dma_start3A_92] : memref<10000x128xf32, #tpu.memory_space<hbm>> -> memref<10000x128xf32, #tpu.memory_space<hbm>>
      tpu.enqueue_indirect_dma source(%dma_start3A_93 : memref<10000x128xf32, #tpu.memory_space<hbm>>) target(%arg8 : memref<128x128xf32, #tpu.memory_space<vmem>>) offsets(%dma_start3A_90 : memref<128xi32, #tpu.memory_space<vmem>>) semaphore(%arg10 : memref<!tpu.dma_semaphore, #tpu.memory_space<semaphore_mem>>)
      %dma_wait3A_94 = arith.constant 0 : i32
      %dma_wait3A_95 = tpu.memref_slice %arg6[%add3A_87, %dma_wait3A_94] : memref<79x128xi32, #tpu.memory_space<vmem>> -> memref<1x128xi32, #tpu.memory_space<vmem>>
      %dma_wait3A_96 = tpu.memref_squeeze %dma_wait3A_95 : memref<1x128xi32, #tpu.memory_space<vmem>> -> memref<128xi32, #tpu.memory_space<vmem>>
      %dma_wait3A_97 = arith.constant 0 : i32
      %dma_wait3A_98 = arith.constant 0 : i32
      %dma_wait3A_99 = tpu.memref_slice %arg2[%dma_wait3A_97, %dma_wait3A_98] : memref<10000x128xf32, #tpu.memory_space<hbm>> -> memref<10000x128xf32, #tpu.memory_space<hbm>>
      tpu.wait_indirect_dma semaphore(%arg10 : memref<!tpu.dma_semaphore, #tpu.memory_space<semaphore_mem>>) src(%dma_wait3A_99 : memref<10000x128xf32, #tpu.memory_space<hbm>>) dst(%arg8 : memref<128x128xf32, #tpu.memory_space<vmem>>)
      "tpu.region"() ({
        %run_scoped3A = tpu.sem_alloc : memref<!tpu.dma_semaphore, #tpu.memory_space<semaphore_mem>>
        %dma_start3A_100 = arith.constant 0 : i32
        %dma_start3A_101 = tpu.memref_slice %arg7[%add3A_87, %dma_start3A_100] : memref<79x128xi32, #tpu.memory_space<vmem>> -> memref<1x128xi32, #tpu.memory_space<vmem>>
        %dma_start3A_102 = tpu.memref_squeeze %dma_start3A_101 : memref<1x128xi32, #tpu.memory_space<vmem>> -> memref<128xi32, #tpu.memory_space<vmem>>
        %dma_start3A_103 = arith.constant 0 : i32
        %dma_start3A_104 = arith.constant 0 : i32
        %dma_start3A_105 = tpu.memref_slice %arg9[%dma_start3A_103, %dma_start3A_104] : memref<10112x128xf32, #tpu.memory_space<vmem_shared>> -> memref<10112x128xf32, #tpu.memory_space<vmem_shared>>
        tpu.enqueue_indirect_dma source(%arg8 : memref<128x128xf32, #tpu.memory_space<vmem>>) target(%dma_start3A_105 : memref<10112x128xf32, #tpu.memory_space<vmem_shared>>) offsets(%dma_start3A_102 : memref<128xi32, #tpu.memory_space<vmem>>) semaphore(%run_scoped3A : memref<!tpu.dma_semaphore, #tpu.memory_space<semaphore_mem>>) {add = true}
        %dma_wait3A_106 = arith.constant 0 : i32
        %dma_wait3A_107 = tpu.memref_slice %arg7[%add3A_87, %dma_wait3A_106] : memref<79x128xi32, #tpu.memory_space<vmem>> -> memref<1x128xi32, #tpu.memory_space<vmem>>
        %dma_wait3A_108 = tpu.memref_squeeze %dma_wait3A_107 : memref<1x128xi32, #tpu.memory_space<vmem>> -> memref<128xi32, #tpu.memory_space<vmem>>
        %dma_wait3A_109 = arith.constant 0 : i32
        %dma_wait3A_110 = arith.constant 0 : i32
        %dma_wait3A_111 = tpu.memref_slice %arg9[%dma_wait3A_109, %dma_wait3A_110] : memref<10112x128xf32, #tpu.memory_space<vmem_shared>> -> memref<10112x128xf32, #tpu.memory_space<vmem_shared>>
        tpu.wait_indirect_dma semaphore(%run_scoped3A : memref<!tpu.dma_semaphore, #tpu.memory_space<semaphore_mem>>) src(%arg8 : memref<128x128xf32, #tpu.memory_space<vmem>>) dst(%dma_wait3A_111 : memref<10112x128xf32, #tpu.memory_space<vmem_shared>>)
        tpu.yield
      }) : () -> ()
    }
    %scan3A_81 = arith.constant 79 : i32
    %barrier3A_82 = arith.constant 0 : index
    tpu.barrier barrier_id(%barrier3A_82)
    "tpu.region"() ({
      %run_scoped3A = tpu.sem_alloc : memref<!tpu.dma_semaphore, #tpu.memory_space<semaphore_mem>>
      %dma_start3A_83 = arith.constant 0 : i32
      %dma_start3A_84 = arith.constant 0 : i32
      %dma_start3A_85 = tpu.memref_slice %arg5[%arg0, %dma_start3A_83, %dma_start3A_84] : memref<2x10112x128xf32, #tpu.memory_space<hbm>> -> memref<1x10112x128xf32, #tpu.memory_space<hbm>>
      %dma_start3A_86 = tpu.memref_squeeze %dma_start3A_85 : memref<1x10112x128xf32, #tpu.memory_space<hbm>> -> memref<10112x128xf32, #tpu.memory_space<hbm>>
      %dma_start3A_87 = arith.constant 0 : i32
      %dma_start3A_88 = tpu.memref_slice %dma_start3A_86[%mul3A_6, %dma_start3A_87] : memref<10112x128xf32, #tpu.memory_space<hbm>> -> memref<632x128xf32, #tpu.memory_space<hbm>>
      %dma_start3A_89 = arith.constant 0 : i32
      %dma_start3A_90 = tpu.memref_slice %arg9[%mul3A_6, %dma_start3A_89] : memref<10112x128xf32, #tpu.memory_space<vmem_shared>> -> memref<632x128xf32, #tpu.memory_space<vmem_shared>>
      tpu.enqueue_dma source(%dma_start3A_90 : memref<632x128xf32, #tpu.memory_space<vmem_shared>>) target(%dma_start3A_88 : memref<632x128xf32, #tpu.memory_space<hbm>>) target_semaphore(%run_scoped3A : memref<!tpu.dma_semaphore, #tpu.memory_space<semaphore_mem>>)
      %dma_wait3A_91 = arith.constant 0 : i32
      %dma_wait3A_92 = arith.constant 0 : i32
      %dma_wait3A_93 = tpu.memref_slice %arg5[%arg0, %dma_wait3A_91, %dma_wait3A_92] : memref<2x10112x128xf32, #tpu.memory_space<hbm>> -> memref<1x10112x128xf32, #tpu.memory_space<hbm>>
      %dma_wait3A_94 = tpu.memref_squeeze %dma_wait3A_93 : memref<1x10112x128xf32, #tpu.memory_space<hbm>> -> memref<10112x128xf32, #tpu.memory_space<hbm>>
      %dma_wait3A_95 = arith.constant 0 : i32
      %dma_wait3A_96 = tpu.memref_slice %dma_wait3A_94[%mul3A_6, %dma_wait3A_95] : memref<10112x128xf32, #tpu.memory_space<hbm>> -> memref<632x128xf32, #tpu.memory_space<hbm>>
      %dma_wait3A_97 = arith.constant 0 : i32
      %dma_wait3A_98 = tpu.memref_slice %arg9[%mul3A_6, %dma_wait3A_97] : memref<10112x128xf32, #tpu.memory_space<vmem_shared>> -> memref<632x128xf32, #tpu.memory_space<vmem_shared>>
      tpu.wait_dma2 semaphore(%run_scoped3A : memref<!tpu.dma_semaphore, #tpu.memory_space<semaphore_mem>>) src(%dma_wait3A_98 : memref<632x128xf32, #tpu.memory_space<vmem_shared>>) dst(%dma_wait3A_96 : memref<632x128xf32, #tpu.memory_space<hbm>>)
      tpu.yield
    }) : () -> ()
    return
  }
}

module attributes {stable_mosaic.version = 14 : i64} {
  func.func @body(%arg0: i32, %arg1: memref<1000x128xf32, #tpu.memory_space<vmem>>, %arg2: memref<128x128xf32, #tpu.memory_space<vmem>>, %arg3: memref<1000x128xf32, #tpu.memory_space<vmem>>) attributes {dimension_semantics = [#tpu.dimension_semantics<arbitrary>], iteration_bounds = array<i64: 10>, scalar_prefetch = 0 : i64, scratch_operands = 0 : i64, tpu.core_type = #tpu.core_type<tc>, window_params = [{transform_indices = @transform_0, window_bounds = array<i64: 1000, 128>}, {pipeline_mode = #tpu.pipeline_mode<synchronous>, transform_indices = @transform_1, window_bounds = array<i64: 128, 128>}, {transform_indices = @transform_2, window_bounds = array<i64: 1000, 128>}]} {
    %get3A = arith.constant 0 : index
    %get3A_0 = arith.constant 0 : index
    %get3A_1 = vector.load %arg1[%get3A, %get3A_0] : memref<1000x128xf32, #tpu.memory_space<vmem>>, vector<1000x128xf32>
    %get3A_2 = arith.constant 0 : index
    %get3A_3 = arith.constant 0 : index
    %get3A_4 = vector.load %arg2[%get3A_2, %get3A_3] : memref<128x128xf32, #tpu.memory_space<vmem>>, vector<128x128xf32>
    %dot_general3A = arith.constant dense<0.000000e+00> : vector<1000x128xf32>
    %dot_general3A_5 = tpu.matmul %get3A_1, %get3A_4, %dot_general3A {dimension_numbers = #tpu.dot_dimension_numbers<[1], [0], [0], [1], [0, 0, 1, 1], [], []>, transpose_lhs_hint = false} : vector<1000x128xf32>, vector<128x128xf32>, vector<1000x128xf32> -> vector<1000x128xf32>
    %swap3A = arith.constant 0 : index
    %swap3A_6 = arith.constant 0 : index
    %swap3A_7 = vector.load %arg3[%swap3A, %swap3A_6] : memref<1000x128xf32, #tpu.memory_space<vmem>>, vector<1000x128xf32>
    tpu.vector_store %arg3[%swap3A, %swap3A_6], %dot_general3A_5 {strides = array<i32>} : memref<1000x128xf32, #tpu.memory_space<vmem>>, vector<1000x128xf32>,
    return
  }
  func.func @transform_0(%arg0: i32) -> (i32, i32) {
    %c0_i32 = arith.constant 0 : i32
    %c0_i32_0 = arith.constant 0 : i32
    return %arg0, %c0_i32 : i32, i32
  }
  func.func @transform_1(%arg0: i32) -> (i32, i32) {
    %c0_i32 = arith.constant 0 : i32
    %c0_i32_0 = arith.constant 0 : i32
    %c0_i32_1 = arith.constant 0 : i32
    return %c0_i32, %c0_i32_0 : i32, i32
  }
  func.func @transform_2(%arg0: i32) -> (i32, i32) {
    %c0_i32 = arith.constant 0 : i32
    %c0_i32_0 = arith.constant 0 : i32
    return %arg0, %c0_i32 : i32, i32
  }
}

module attributes {stable_mosaic.version = 14 : i64} {
  func.func @body(%arg0: i32, %arg1: memref<1000x128xf32, #tpu.memory_space<vmem>>, %arg2: memref<2x1000x16xf32, #tpu.memory_space<vmem>>, %arg3: memref<1000x128xf32, #tpu.memory_space<vmem>>, %arg4: memref<1000x128xf32, #tpu.memory_space<vmem>>) attributes {dimension_semantics = [#tpu.dimension_semantics<arbitrary>], iteration_bounds = array<i64: 10>, scalar_prefetch = 0 : i64, scratch_operands = 0 : i64, tpu.core_type = #tpu.core_type<tc>, window_params = [{transform_indices = @transform_0, window_bounds = array<i64: 1000, 128>}, {transform_indices = @transform_1, window_bounds = array<i64: 2, 1000, 16>}, {transform_indices = @transform_2, window_bounds = array<i64: 1000, 128>}, {transform_indices = @transform_3, window_bounds = array<i64: 1000, 128>}]} {
    %get3A = arith.constant 0 : index
    %get3A_0 = arith.constant 0 : index
    %get3A_1 = arith.constant 0 : index
    %get3A_2 = vector.load %arg2[%get3A, %get3A_0, %get3A_1] : memref<2x1000x16xf32, #tpu.memory_space<vmem>>, vector<1x1000x16xf32>
    %get3A_3 = vector.shape_cast %get3A_2 : vector<1x1000x16xf32> to vector<1000x16xf32>
    %slice3A = vector.extract_strided_slice %get3A_3 {offsets = [0, 0], sizes = [1000, 1], strides = [1, 1]} : vector<1000x16xf32> to vector<1000x1xf32>
    %get3A_4 = arith.constant 1 : index
    %get3A_5 = arith.constant 0 : index
    %get3A_6 = arith.constant 0 : index
    %get3A_7 = vector.load %arg2[%get3A_4, %get3A_5, %get3A_6] : memref<2x1000x16xf32, #tpu.memory_space<vmem>>, vector<1x1000x16xf32>
    %get3A_8 = vector.shape_cast %get3A_7 : vector<1x1000x16xf32> to vector<1000x16xf32>
    %slice3A_9 = vector.extract_strided_slice %get3A_8 {offsets = [0, 0], sizes = [1000, 1], strides = [1, 1]} : vector<1000x16xf32> to vector<1000x1xf32>
    %add3A = arith.addf %slice3A, %slice3A_9 : vector<1000x1xf32>
    %add3A_10 = arith.constant 1.000000e+00 : f32
    %add3A_11 = vector.broadcast %add3A_10 : f32 to vector<1000x1xf32>
    %add3A_12 = arith.addf %add3A, %add3A_11 : vector<1000x1xf32>
    %rsqrt3A = math.rsqrt %add3A_12 : vector<1000x1xf32>
    %broadcast_in_dim3A = vector.shape_cast %rsqrt3A : vector<1000x1xf32> to vector<1000x1xf32>
    %broadcast_in_dim3A_13 = vector.broadcast %broadcast_in_dim3A : vector<1000x1xf32> to vector<1000x128xf32>
    %get3A_14 = arith.constant 0 : index
    %get3A_15 = arith.constant 0 : index
    %get3A_16 = vector.load %arg1[%get3A_14, %get3A_15] : memref<1000x128xf32, #tpu.memory_space<vmem>>, vector<1000x128xf32>
    %mul3A = arith.mulf %get3A_16, %broadcast_in_dim3A_13 : vector<1000x128xf32>
    %swap3A = arith.constant 0 : index
    %swap3A_17 = arith.constant 0 : index
    %swap3A_18 = vector.load %arg3[%swap3A, %swap3A_17] : memref<1000x128xf32, #tpu.memory_space<vmem>>, vector<1000x128xf32>
    tpu.vector_store %arg3[%swap3A, %swap3A_17], %mul3A {strides = array<i32>} : memref<1000x128xf32, #tpu.memory_space<vmem>>, vector<1000x128xf32>,
    %swap3A_19 = arith.constant 0 : index
    %swap3A_20 = arith.constant 0 : index
    %swap3A_21 = vector.load %arg4[%swap3A_19, %swap3A_20] : memref<1000x128xf32, #tpu.memory_space<vmem>>, vector<1000x128xf32>
    tpu.vector_store %arg4[%swap3A_19, %swap3A_20], %broadcast_in_dim3A_13 {strides = array<i32>} : memref<1000x128xf32, #tpu.memory_space<vmem>>, vector<1000x128xf32>,
    return
  }
  func.func @transform_0(%arg0: i32) -> (i32, i32) {
    %c0_i32 = arith.constant 0 : i32
    %c0_i32_0 = arith.constant 0 : i32
    return %arg0, %c0_i32 : i32, i32
  }
  func.func @transform_1(%arg0: i32) -> (i32, i32, i32) {
    %c0_i32 = arith.constant 0 : i32
    %c0_i32_0 = arith.constant 0 : i32
    %c0_i32_1 = arith.constant 0 : i32
    return %c0_i32, %arg0, %c0_i32_0 : i32, i32, i32
  }
  func.func @transform_2(%arg0: i32) -> (i32, i32) {
    %c0_i32 = arith.constant 0 : i32
    %c0_i32_0 = arith.constant 0 : i32
    return %arg0, %c0_i32 : i32, i32
  }
  func.func @transform_3(%arg0: i32) -> (i32, i32) {
    %c0_i32 = arith.constant 0 : i32
    %c0_i32_0 = arith.constant 0 : i32
    return %arg0, %c0_i32 : i32, i32
  }
}

module attributes {stable_mosaic.version = 14 : i64} {
  func.func @body(%arg0: i32, %arg1: memref<2x1000x128xf32, #tpu.memory_space<vmem>>, %arg2: memref<1000x128xf32, #tpu.memory_space<vmem>>, %arg3: memref<1000x128xf32, #tpu.memory_space<vmem>>, %arg4: memref<1x128xf32, #tpu.memory_space<vmem>>, %arg5: memref<128x128xf32, #tpu.memory_space<vmem>>, %arg6: memref<1000x128xf32, #tpu.memory_space<vmem>>) attributes {dimension_semantics = [#tpu.dimension_semantics<arbitrary>], iteration_bounds = array<i64: 10>, scalar_prefetch = 0 : i64, scratch_operands = 0 : i64, tpu.core_type = #tpu.core_type<tc>, window_params = [{transform_indices = @transform_0, window_bounds = array<i64: 2, 1000, 128>}, {transform_indices = @transform_1, window_bounds = array<i64: 1000, 128>}, {transform_indices = @transform_2, window_bounds = array<i64: 1000, 128>}, {pipeline_mode = #tpu.pipeline_mode<synchronous>, transform_indices = @transform_3, window_bounds = array<i64: 1, 128>}, {pipeline_mode = #tpu.pipeline_mode<synchronous>, transform_indices = @transform_4, window_bounds = array<i64: 128, 128>}, {transform_indices = @transform_5, window_bounds = array<i64: 1000, 128>}]} {
    %get3A = arith.constant 0 : index
    %get3A_0 = arith.constant 0 : index
    %get3A_1 = vector.load %arg3[%get3A, %get3A_0] : memref<1000x128xf32, #tpu.memory_space<vmem>>, vector<1000x128xf32>
    %get3A_2 = arith.constant 0 : index
    %get3A_3 = arith.constant 0 : index
    %get3A_4 = arith.constant 0 : index
    %get3A_5 = vector.load %arg1[%get3A_2, %get3A_3, %get3A_4] : memref<2x1000x128xf32, #tpu.memory_space<vmem>>, vector<1x1000x128xf32>
    %get3A_6 = vector.shape_cast %get3A_5 : vector<1x1000x128xf32> to vector<1000x128xf32>
    %get3A_7 = arith.constant 1 : index
    %get3A_8 = arith.constant 0 : index
    %get3A_9 = arith.constant 0 : index
    %get3A_10 = vector.load %arg1[%get3A_7, %get3A_8, %get3A_9] : memref<2x1000x128xf32, #tpu.memory_space<vmem>>, vector<1x1000x128xf32>
    %get3A_11 = vector.shape_cast %get3A_10 : vector<1x1000x128xf32> to vector<1000x128xf32>
    %add3A = arith.addf %get3A_6, %get3A_11 : vector<1000x128xf32>
    %get3A_12 = arith.constant 0 : index
    %get3A_13 = arith.constant 0 : index
    %get3A_14 = vector.load %arg2[%get3A_12, %get3A_13] : memref<1000x128xf32, #tpu.memory_space<vmem>>, vector<1000x128xf32>
    %add3A_15 = arith.addf %add3A, %get3A_14 : vector<1000x128xf32>
    %mul3A = arith.mulf %get3A_1, %add3A_15 : vector<1000x128xf32>
    %get3A_16 = arith.constant 0 : index
    %get3A_17 = arith.constant 0 : index
    %get3A_18 = vector.load %arg4[%get3A_16, %get3A_17] : memref<1x128xf32, #tpu.memory_space<vmem>>, vector<1x128xf32>
    %add3A_19 = vector.broadcast %get3A_18 : vector<1x128xf32> to vector<1000x128xf32>
    %add3A_20 = arith.addf %mul3A, %add3A_19 : vector<1000x128xf32>
    %max3A = arith.constant 0.000000e+00 : f32
    %max3A_21 = vector.broadcast %max3A : f32 to vector<1000x128xf32>
    %max3A_22 = arith.maximumf %add3A_20, %max3A_21 : vector<1000x128xf32>
    %get3A_23 = arith.constant 0 : index
    %get3A_24 = arith.constant 0 : index
    %get3A_25 = vector.load %arg5[%get3A_23, %get3A_24] : memref<128x128xf32, #tpu.memory_space<vmem>>, vector<128x128xf32>
    %dot_general3A = arith.constant dense<0.000000e+00> : vector<1000x128xf32>
    %dot_general3A_26 = tpu.matmul %max3A_22, %get3A_25, %dot_general3A {dimension_numbers = #tpu.dot_dimension_numbers<[1], [0], [0], [1], [0, 0, 1, 1], [], []>, transpose_lhs_hint = false} : vector<1000x128xf32>, vector<128x128xf32>, vector<1000x128xf32> -> vector<1000x128xf32>
    %get3A_27 = arith.constant 0 : index
    %get3A_28 = arith.constant 0 : index
    %get3A_29 = vector.load %arg3[%get3A_27, %get3A_28] : memref<1000x128xf32, #tpu.memory_space<vmem>>, vector<1000x128xf32>
    %mul3A_30 = arith.mulf %dot_general3A_26, %get3A_29 : vector<1000x128xf32>
    %swap3A = arith.constant 0 : index
    %swap3A_31 = arith.constant 0 : index
    %swap3A_32 = vector.load %arg6[%swap3A, %swap3A_31] : memref<1000x128xf32, #tpu.memory_space<vmem>>, vector<1000x128xf32>
    tpu.vector_store %arg6[%swap3A, %swap3A_31], %mul3A_30 {strides = array<i32>} : memref<1000x128xf32, #tpu.memory_space<vmem>>, vector<1000x128xf32>,
    return
  }
  func.func @transform_0(%arg0: i32) -> (i32, i32, i32) {
    %c0_i32 = arith.constant 0 : i32
    %c0_i32_0 = arith.constant 0 : i32
    %c0_i32_1 = arith.constant 0 : i32
    return %c0_i32, %arg0, %c0_i32_0 : i32, i32, i32
  }
  func.func @transform_1(%arg0: i32) -> (i32, i32) {
    %c0_i32 = arith.constant 0 : i32
    %c0_i32_0 = arith.constant 0 : i32
    return %arg0, %c0_i32 : i32, i32
  }
  func.func @transform_2(%arg0: i32) -> (i32, i32) {
    %c0_i32 = arith.constant 0 : i32
    %c0_i32_0 = arith.constant 0 : i32
    return %arg0, %c0_i32 : i32, i32
  }
  func.func @transform_3(%arg0: i32) -> (i32, i32) {
    %c0_i32 = arith.constant 0 : i32
    %c0_i32_0 = arith.constant 0 : i32
    %c0_i32_1 = arith.constant 0 : i32
    return %c0_i32, %c0_i32_0 : i32, i32
  }
  func.func @transform_4(%arg0: i32) -> (i32, i32) {
    %c0_i32 = arith.constant 0 : i32
    %c0_i32_0 = arith.constant 0 : i32
    %c0_i32_1 = arith.constant 0 : i32
    return %c0_i32, %c0_i32_0 : i32, i32
  }
  func.func @transform_5(%arg0: i32) -> (i32, i32) {
    %c0_i32 = arith.constant 0 : i32
    %c0_i32_0 = arith.constant 0 : i32
    return %arg0, %c0_i32 : i32, i32
  }
}

module attributes {stable_mosaic.version = 14 : i64} {
  func.func @body(%arg0: i32, %arg1: memref<2x1000x128xf32, #tpu.memory_space<vmem>>, %arg2: memref<1000x128xf32, #tpu.memory_space<vmem>>, %arg3: memref<1000x128xf32, #tpu.memory_space<vmem>>, %arg4: memref<1x128xf32, #tpu.memory_space<vmem>>, %arg5: memref<1000x128xf32, #tpu.memory_space<vmem>>) attributes {dimension_semantics = [#tpu.dimension_semantics<arbitrary>], iteration_bounds = array<i64: 10>, scalar_prefetch = 0 : i64, scratch_operands = 0 : i64, tpu.core_type = #tpu.core_type<tc>, window_params = [{transform_indices = @transform_0, window_bounds = array<i64: 2, 1000, 128>}, {transform_indices = @transform_1, window_bounds = array<i64: 1000, 128>}, {transform_indices = @transform_2, window_bounds = array<i64: 1000, 128>}, {pipeline_mode = #tpu.pipeline_mode<synchronous>, transform_indices = @transform_3, window_bounds = array<i64: 1, 128>}, {transform_indices = @transform_4, window_bounds = array<i64: 1000, 128>}]} {
    %get3A = arith.constant 0 : index
    %get3A_0 = arith.constant 0 : index
    %get3A_1 = vector.load %arg3[%get3A, %get3A_0] : memref<1000x128xf32, #tpu.memory_space<vmem>>, vector<1000x128xf32>
    %get3A_2 = arith.constant 0 : index
    %get3A_3 = arith.constant 0 : index
    %get3A_4 = arith.constant 0 : index
    %get3A_5 = vector.load %arg1[%get3A_2, %get3A_3, %get3A_4] : memref<2x1000x128xf32, #tpu.memory_space<vmem>>, vector<1x1000x128xf32>
    %get3A_6 = vector.shape_cast %get3A_5 : vector<1x1000x128xf32> to vector<1000x128xf32>
    %get3A_7 = arith.constant 1 : index
    %get3A_8 = arith.constant 0 : index
    %get3A_9 = arith.constant 0 : index
    %get3A_10 = vector.load %arg1[%get3A_7, %get3A_8, %get3A_9] : memref<2x1000x128xf32, #tpu.memory_space<vmem>>, vector<1x1000x128xf32>
    %get3A_11 = vector.shape_cast %get3A_10 : vector<1x1000x128xf32> to vector<1000x128xf32>
    %add3A = arith.addf %get3A_6, %get3A_11 : vector<1000x128xf32>
    %get3A_12 = arith.constant 0 : index
    %get3A_13 = arith.constant 0 : index
    %get3A_14 = vector.load %arg2[%get3A_12, %get3A_13] : memref<1000x128xf32, #tpu.memory_space<vmem>>, vector<1000x128xf32>
    %add3A_15 = arith.addf %add3A, %get3A_14 : vector<1000x128xf32>
    %mul3A = arith.mulf %get3A_1, %add3A_15 : vector<1000x128xf32>
    %get3A_16 = arith.constant 0 : index
    %get3A_17 = arith.constant 0 : index
    %get3A_18 = vector.load %arg4[%get3A_16, %get3A_17] : memref<1x128xf32, #tpu.memory_space<vmem>>, vector<1x128xf32>
    %add3A_19 = vector.broadcast %get3A_18 : vector<1x128xf32> to vector<1000x128xf32>
    %add3A_20 = arith.addf %mul3A, %add3A_19 : vector<1000x128xf32>
    %reduce_max3A = arith.constant dense<0xFF800000> : vector<1000xf32>
    %reduce_max3A_21 = vector.multi_reduction <maximumf>, %add3A_20, %reduce_max3A [1] : vector<1000x128xf32> to vector<1000xf32>
    %broadcast_in_dim3A = vector.shape_cast %reduce_max3A_21 : vector<1000xf32> to vector<1000x1xf32>
    %sub3A = vector.broadcast %broadcast_in_dim3A : vector<1000x1xf32> to vector<1000x128xf32>
    %sub3A_22 = arith.subf %add3A_20, %sub3A : vector<1000x128xf32>
    %exp3A = math.exp %sub3A_22 : vector<1000x128xf32>
    %reduce_sum3A = arith.constant dense<0.000000e+00> : vector<1000xf32>
    %reduce_sum3A_23 = vector.multi_reduction <add>, %exp3A, %reduce_sum3A [1] : vector<1000x128xf32> to vector<1000xf32>
    %broadcast_in_dim3A_24 = vector.shape_cast %reduce_sum3A_23 : vector<1000xf32> to vector<1000x1xf32>
    %log3A = math.log %broadcast_in_dim3A_24 : vector<1000x1xf32>
    %sub3A_25 = vector.broadcast %log3A : vector<1000x1xf32> to vector<1000x128xf32>
    %sub3A_26 = arith.subf %sub3A_22, %sub3A_25 : vector<1000x128xf32>
    %swap3A = arith.constant 0 : index
    %swap3A_27 = arith.constant 0 : index
    %swap3A_28 = vector.load %arg5[%swap3A, %swap3A_27] : memref<1000x128xf32, #tpu.memory_space<vmem>>, vector<1000x128xf32>
    tpu.vector_store %arg5[%swap3A, %swap3A_27], %sub3A_26 {strides = array<i32>} : memref<1000x128xf32, #tpu.memory_space<vmem>>, vector<1000x128xf32>,
    return
  }
  func.func @transform_0(%arg0: i32) -> (i32, i32, i32) {
    %c0_i32 = arith.constant 0 : i32
    %c0_i32_0 = arith.constant 0 : i32
    %c0_i32_1 = arith.constant 0 : i32
    return %c0_i32, %arg0, %c0_i32_0 : i32, i32, i32
  }
  func.func @transform_1(%arg0: i32) -> (i32, i32) {
    %c0_i32 = arith.constant 0 : i32
    %c0_i32_0 = arith.constant 0 : i32
    return %arg0, %c0_i32 : i32, i32
  }
  func.func @transform_2(%arg0: i32) -> (i32, i32) {
    %c0_i32 = arith.constant 0 : i32
    %c0_i32_0 = arith.constant 0 : i32
    return %arg0, %c0_i32 : i32, i32
  }
  func.func @transform_3(%arg0: i32) -> (i32, i32) {
    %c0_i32 = arith.constant 0 : i32
    %c0_i32_0 = arith.constant 0 : i32
    %c0_i32_1 = arith.constant 0 : i32
    return %c0_i32, %c0_i32_0 : i32, i32
  }
  func.func @transform_4(%arg0: i32) -> (i32, i32) {
    %c0_i32 = arith.constant 0 : i32
    %c0_i32_0 = arith.constant 0 : i32
    return %arg0, %c0_i32 : i32, i32
  }
}

</mosaic_0001>

<sc_bundles>
// kernel: kernel.12.cloned.1.call-start
scs
__scs_entry_jumppad:
0x0: {  	(pc) =	sbr.rel $0x88, $3  }
0x1: {  	(tag) =	ssettag $0x0;
	lr =	simm.s32 $0x1  }
0x2: {  	[smem:$0x3F9B] =	sst lr;
	_ =	strace $0xD0000000  }
0x3: {  	_ = 	snop  }
0x4: {  	_ = 	snop  }
0x5: {  	_ = 	snop  }
0x6: {  	_ = 	snop  }
0x7: {  	_ = 	snop  }
__scs_overlays_trampoline_lowered:
0x8: {  	[smem:$0x3FAA] =	sst s0  }
0x9: {  	[smem:$0x3FAB] =	sst s1  }
0xa: {  	[smem:$0x3FAC] =	sst s2  }
0xb: {  	[smem:$0x3FAD] =	sst s3  }
0xc: {  	[smem:$0x3FAE] =	sst s4  }
0xd: {  	[smem:$0x3FAF] =	sst s5  }
0xe: {  	[smem:$0x3FB0] =	sst s6  }
0xf: {  	[smem:$0x3FB1] =	sst s7  }
0x10: {  	[smem:$0x3FB2] =	sst s8  }
0x11: {  	[smem:$0x3FB3] =	sst s9;
	s0 =	simm.s32 @!p0 $0x0  }
0x12: {  	s1 =	sld [smem:$0x3F99];
	s0 =	simm.s32 @p0 $0x1  }
0x13: {  	[smem:$0x3FB4] =	sst s0;
	s0 =	simm.s32 @!p1 $0x0  }
0x14: {  	s2 =	sld [smem:$0x3F98];
	s0 =	simm.s32 @p1 $0x1  }
0x15: {  	[smem:$0x3FB5] =	sst s0;
	s0 =	simm.s32 @!p2 $0x0  }
0x16: {  	s3 =	sld [smem:$0x3FDB];
	s0 =	simm.s32 @p2 $0x1  }
0x17: {  	s4 =	simm.s32 $0x1BF5;
	[smem:$0x3FB7] =	sst s0  }
0x18: {  	s0 =	sld [smem:$0x3F9A];
	_ =	swait.ge [sflag:s4], $0x0  }
0x19: {  	s7 =	sld [smem:$0x3F9B]  }
0x1a: {  	s8 =	sadd.s32 $0xFFFFE003, lr  }
0x1b: {  	s9 =	sadd.s32 $0xFFFFFEF7, lr;
	s5 =	simm.s32 $0xFFFFFFFF;
	p2 =	slt.u32 s8, $0xFFFFF086  }
0x1c: {  	p1 =	slt.u32 s9, $0xF7A;
	s5 =	simm.s32 @!p2 $0x0  }
0x1d: {  	s5 =	simm.s32 @p1 $0x1;
	p0 =	seq.s32 s7, s2  }
0x1e: {  	s7 =	smul.u32 @!p0 $0xF7A, s2;
	p2 =	seq.s32 @!p0 s5, $0x0  }
0x1f: {  	s9 =	smul.u32 $0xF7A, s1;
	s8 =	simm.s32 @!p0 $0x1BF5;
	p2 =	por !p2, p0  }
0x20: {  	[sflag:s8] =	ssyncset.s32 @!p0 $0xFFFFF086;
	s6 =	sadd.s32 @!p0 s3, s7;
	s7 =	simm.s32 @!p0 $0x108  }
0x21: {  	s3 =	sadd.s32 s3, s9;
	s6 =	sadd.s32 @!p0 $0x88, s6;
	s7 =	simm.s32 @p2 $0x1082  }
0x22: {  	[simem:s7], [sflag:s8] =	dma.local @!p0 [hbm:s6], $0xF7A  }
0x23: {  	s9 =	sor.u32 $0xD0000000, s2;
	s6 =	simm.s32 $0x108;
	_ =	swait.ge @!p0 [sflag:s8], $0x0  }
0x24: {  	s3 =	sadd.s32 $0x88, s3;
	s6 =	simm.s32 @!p1 $0x1082;
	[sflag:s4] =	ssyncset.s32 $0xFFFFF086  }
0x25: {  	[simem:s6], [sflag:s4] =	dma.local [hbm:s3], $0xF7A  }
0x26: {  	[smem:$0x3F9B] =	sst s1;
	(tag) =	ssettag s2;
	_ =	strace s9  }
0x27: {  	s1 =	sld [smem:$0x3FAB]  }
0x28: {  	s2 =	sld [smem:$0x3FAC]  }
0x29: {  	s4 =	sld [smem:$0x3FAE]  }
0x2a: {  	p0 =	seq.s32 s5, $0x0;
	s5 =	sld [smem:$0x3FAF]  }
0x2b: {  	s6 =	sld [smem:$0x3FB0]  }
0x2c: {  	s7 =	sld [smem:$0x3FB1]  }
0x2d: {  	s3 =	simm.s32 $0x108;
	s8 =	sld [smem:$0x3FB2]  }
0x2e: {  	s3 =	simm.s32 @!p0 $0x1082;
	s9 =	sld [smem:$0x3FB3]  }
0x2f: {  	lr =	sadd.s32 s0, s3;
	s0 =	sld [smem:$0x3FAA]  }
0x30: {  	s3 =	sld [smem:$0x3FAD]  }
0x31: {  	[smem:$0x3FB6] =	sst s10  }
0x32: {  	s10 =	sld [smem:$0x3FB4];
	_ =	sdelay $0x3  }
0x33: {  	p0 =	seq.s32 s10, $0x1;
	s10 =	sld [smem:$0x3FB6];
	_ =	sdelay $0x3  }
0x34: {  	[smem:$0x3FB6] =	sst s10  }
0x35: {  	s10 =	sld [smem:$0x3FB5];
	_ =	sdelay $0x3  }
0x36: {  	p1 =	seq.s32 s10, $0x1;
	s10 =	sld [smem:$0x3FB6];
	_ =	sdelay $0x3  }
0x37: {  	[smem:$0x3FB6] =	sst s10  }
0x38: {  	s10 =	sld [smem:$0x3FB7]  }
0x39: {  	_ = 	snop;
	(pc) =	sbr.ind lr, $3  }
0x3a: {  	_ = 	snop  }
0x3b: {  	_ = 	snop  }
0x3c: {  	p2 =	seq.s32 s10, $0x1;
	s10 =	sld [smem:$0x3FB6]  }
0x3d: {  	_ =	shalt  }
0x3e: {  	_ =	shalt  }
0x3f: {  	_ =	shalt  }
0x40: {  	_ =	shalt  }
0x41: {  	_ =	shalt  }
0x42: {  	_ =	shalt  }
0x43: {  	_ =	shalt  }
0x44: {  	_ =	shalt  }
0x45: {  	_ =	shalt  }
0x46: {  	_ =	shalt  }
0x47: {  	_ =	shalt  }
0x48: {  	_ =	shalt  }
0x49: {  	_ =	shalt  }
0x4a: {  	_ =	shalt  }
0x4b: {  	_ =	shalt  }
0x4c: {  	_ =	shalt  }
0x4d: {  	_ =	shalt  }
0x4e: {  	_ =	shalt  }
0x4f: {  	_ =	shalt  }
0x50: {  	_ =	shalt  }
0x51: {  	_ =	shalt  }
0x52: {  	_ =	shalt  }
0x53: {  	_ =	shalt  }
0x54: {  	_ =	shalt  }
0x55: {  	_ =	shalt  }
0x56: {  	_ =	shalt  }
0x57: {  	_ =	shalt  }
0x58: {  	_ =	shalt  }
0x59: {  	_ =	shalt  }
0x5a: {  	_ =	shalt  }
0x5b: {  	_ =	shalt  }
0x5c: {  	_ =	shalt  }
0x5d: {  	_ =	shalt  }
0x5e: {  	_ =	shalt  }
0x5f: {  	_ =	shalt  }
0x60: {  	_ =	shalt  }
0x61: {  	_ =	shalt  }
0x62: {  	_ =	shalt  }
0x63: {  	_ =	shalt  }
0x64: {  	_ =	shalt  }
0x65: {  	_ =	shalt  }
0x66: {  	_ =	shalt  }
0x67: {  	_ =	shalt  }
0x68: {  	_ =	shalt  }
0x69: {  	_ =	shalt  }
0x6a: {  	_ =	shalt  }
0x6b: {  	_ =	shalt  }
0x6c: {  	_ =	shalt  }
0x6d: {  	_ =	shalt  }
0x6e: {  	_ =	shalt  }
0x6f: {  	_ =	shalt  }
0x70: {  	_ =	shalt  }
0x71: {  	_ =	shalt  }
0x72: {  	_ =	shalt  }
0x73: {  	_ =	shalt  }
0x74: {  	_ =	shalt  }
0x75: {  	_ =	shalt  }
0x76: {  	_ =	shalt  }
0x77: {  	_ =	shalt  }
0x78: {  	_ =	shalt  }
0x79: {  	_ =	shalt  }
0x7a: {  	_ =	shalt  }
0x7b: {  	_ =	shalt  }
0x7c: {  	_ =	shalt  }
0x7d: {  	_ =	shalt  }
0x7e: {  	_ =	shalt  }
0x7f: {  	_ =	shalt  }
0x80: {  	_ =	shalt  }
0x81: {  	_ =	shalt  }
0x82: {  	_ =	shalt  }
0x83: {  	_ =	shalt  }
0x84: {  	_ =	shalt  }
0x85: {  	_ =	shalt  }
0x86: {  	_ =	shalt  }
0x87: {  	_ =	shalt  }
.Lfunc_end0:
.L_simem_size_0:
called_computation.1_lowered:
.L_overlay_start_0:
0x88: {  	s2 =	sld [smem:$0x3FD9]  }
0x89: {  	s3 =	sld [smem:$0x3FFE];
	_ =	sdelay $0x1  }
0x8a: {  	s1 =	srdreg.scid  }
0x8b: {  	s0 =	sand.u32 $0x1, s1  }
0x8c: {  	s17 =	sshll.u32 s0, $0xA;
	s2 =	sadd.s32 s3, s2  }
0x8d: {  	s2 =	sadd.s32 s2, s17  }
0x8e: {  	[smem:$0x3FC2] =	sst s2  }
0x8f: {  	_ = 	snop  }
0x90: {  	s2 =	sld [smem:$0x3FD0];
	(tm) =	ssettm $0x1  }
0x91: {  	s18 =	sld [smem:$0x3FFB];
	_ =	sdelay $0x3  }
0x92: {  	_ =	strace s18  }
0x93: {  	s3 =	sld [smem:$0x3FFC];
	_ =	sdelay $0x3  }
0x94: {  	_ =	strace s3  }
0x95: {  	s3 =	sld [smem:$0x3FFD];
	_ =	sdelay $0x3  }
0x96: {  	_ =	strace s3  }
0x97: {  	_ =	strace $0x8FFFFFFF  }
0x98: {  	s19 =	sld [smem:$0x3FDB];
	_ =	sdelay $0x1  }
0x99: {  	s4 =	simm.s32 $_scs_section_size  }
0x9a: {  	s5 =	simm.s32 $_size__tile_overlayer_lowered;
	s6 =	simm.s32 $_tile_overlayer_lowered  }
0x9b: {  	s22 =	simm.s32 $0x1BFF;
	s21 =	sshll.u32 s6, $0x1;
	s3 =	sadd.s32 s4, s19  }
0x9c: {  	s7 =	simm.s32 $0x0;
	s20 =	sshll.u32 s5, $0x1;
	s5 =	sadd.s32 s21, s3  }
0x9d: {  	[timem:s7], [sflag:s22] =	dma.local [hbm:s5], s20  }
0x9e: {  	_ =	swait.ge [sflag:s22], s20  }
0x9f: {  	s4 =	ssub.s32 $0x0, s20;
	[sflag:s22] =	ssyncset.done $0x0  }
0xa0: {  	[sflag:s22] =	ssyncadd.s32 s4;
	_ =	sdelay $0x1  }
0xa1: {  	s23 =	simm.s32 $0x1B8B  }
0xa2: {  	_ =	swait.ge [sflag:s23], $0x1  }
0xa3: {  	[sflag:s23] =	ssyncset.done $0x0  }
0xa4: {  	s25 =	simm.s32 $0x1B8E;
	s24 =	sld [smem:$0x3FFE];
	[sflag:s23] =	ssyncadd.s32 $0xFFFFFFFF  }
0xa5: {  	s26 =	simm.s32 $execute0_lowered;
	[smem:$0x3FD2] =	sst s25  }
0xa6: {  	s5 =	sshll.u32 s26, $0x1;
	_ =	strace $0x80000049;
	[dreg:$0x1] =	wrdreg $0xFFFFFFFF  }
0xa7: {  	s28 =	simm.s32 $_size_execute0_lowered;
	s3 =	sadd.s32 s3, s5;
	[dreg:$0x0] =	wrdreg $0x0  }
0xa8: {  	s5 =	sshll.u32 s28, $0x1;
	[dreg:$0x2] =	wrdreg s3  }
0xa9: {  	[dreg:$0x3] =	wrdreg s5  }
0xaa: {  	[dreg:$0x4] =	wrdreg $0xC0  }
0xab: {  	_ =	task [dreg:s7], $0x5FFFF  }
0xac: {  	[dreg:$0x1] =	wrdreg $0xFFFFFFFF  }
0xad: {  	[dreg:$0x0] =	wrdreg $0x60  }
0xae: {  	[dreg:$0x2] =	wrdreg s2  }
0xaf: {  	[dreg:$0x3] =	wrdreg s24  }
0xb0: {  	[dreg:$0x4] =	wrdreg $0x90000  }
0xb1: {  	[dreg:$0x5] =	wrdreg $0x9  }
0xb2: {  	_ =	task.clear_ibuf [dreg:s7], $0x6FFFF;
	_ =	strace $0x90000049  }
0xb3: {  	s29 =	simm.s32 $0x9;
	_ =	strace $0x8000004B  }
0xb4: {  	_ =	swait.ge [sflag:s29], $0x1  }
0xb5: {  	[sflag:s29] =	ssyncadd.s32 $0xFFFFFFFF  }
0xb6: {  	_ =	strace $0x9000004B  }
0xb7: {  	_ =	sfence  }
0xb8: {  	s30 =	sld [smem:$0x0];
	_ =	sdelay $0x2  }
0xb9: {  	s31 =	sshll.u32 s1, $0xD;
	s1 =	sshrl.u32 s1, $0x2  }
0xba: {  	s3 =	sand.u32 $0x4000, s31;
	s1 =	sadd.s32 s1, s30  }
0xbb: {  	s0 =	sor.u32 s3, s0;
	s1 =	sshll.u32 s1, $0x11  }
0xbc: {  	s0 =	sor.u32 s1, s0  }
0xbd: {  	s0 =	sadd.s32 $0x8F2B, s0  }
0xbe: {  	[sflag:s0] =	ssyncadd.remote.s32 $0x1  }
0xbf: {  	_ =	sfence.sel $0xFFFF  }
0xc0: {  	[dreg:$0x0] =	wrdreg $0xFFFFFFFF;
	(pc) =	sbr.abs _section_cstart, $3  }
0xc1: {  	[dreg:$0x1] =	wrdreg $0xFFFFFFFF  }
0xc2: {  	_ =	task.clear_ibuf [dreg:s7], $0x2FFFF;
	_ =	strace $0x9FFFFFFF  }
0xc3: {  	(tm) =	ssettm $0x7FFFFFFF  }
tec
execute0_lowered:
.L_overlay_start_1:
0x0: {  	(tag) =	ssettag $0x1  }
0x1: {  	s1 =	rddreg [dreg:$0x0]  }
0x2: {  	s6 =	rddreg [dreg:$0x1]  }
0x3: {  	s3 =	rddreg [dreg:$0x2]  }
0x4: {  	s0 =	rddreg [dreg:$0x3];
	s5 =	srdreg.scid  }
0x5: {  	s2 =	stileid.u32;
	s4 =	simm.s32 $0x0;
	s14 =	simm.s32 $0x3  }
0x6: {  	s15 =	simm.s32 $0x2800;
	s16 =	simm.s32 $0x2;
	s17 =	simm.s32 $0x80  }
0x7: {  	s18 =	simm.s32 $0x1;
	s5 =	sand.u32 $0x1, s5;
	s8 =	smul.u32 $0x4F000, s2  }
0x8: {  	s7 =	sshll.u32 s2, $0x1;
	[smem:$0x7FF] =	sst s4;
	s20 =	smul.u32 $0x2780, s2  }
0x9: {  	s21 =	sshll.u32 s2, $0x6;
	s7 =	sor.u32 s5, s7;
	s9 =	smul.u32 $0x27800, s5  }
0xa: {  	s10 =	ssub.s32 $0x2, s5;
	s7 =	smul.u32 $0x500, s7;
	s30 =	sshrl.u32 s8, $0x2  }
0xb: {  	_ =	strace $0x8000004A;
	s31 =	sshrl.u32 s10, $0x1;
	s5 =	sadd.s32 s30, s3  }
0xc: {  	s12 =	sadd.s32 s9, s6;
	s13 =	ssub.s32 s10, s31;
	s11 =	sadd.s32 s7, s6  }
0xd: {  	s6 =	sadd.s32 $0x4000, s5;
	s7 =	sadd.s32 $0x8000, s5;
	s8 =	sadd.s32 $0xC000, s5  }
0xe: {  	s9 =	sadd.s32 $0x10000, s5;
	s19 =	sadd.s32 $0x24E00, s12;
	s12 =	smax.u32 s13, $0x1  }
0xf: {  	s13 =	simm.s32 $0x5000;
	s10 =	sadd.s32 $0x1AE00, s11;
	s11 =	sadd.s32 $0x10E00, s11  }
0x10: {  	v0 =	vimm.f32 $0.0e+00;
	s19 =	sadd.s32 s20, s19;
	s20 =	sor.u32 $0x1C03, s21;
	s21 =	sshrl.u32 s5, $0x3  }
.LBB2_1:
0x11: {  	s22 =	simm.s32 $0x0;
	s23 =	simm.s32 $0x200  }
.LBB2_2:
0x12: {  	p0 =	sne.s32 s23, $0xFE00;
	[tilespmem:s22+$0x5070] =	vst v0  }
0x13: {  	[tilespmem:s22+$0x5000] =	vst v0  }
0x14: {  	[tilespmem:s22+$0x5010] =	vst v0  }
.Ltmp0:
0x15: {  	[tilespmem:s22+$0x5020] =	vst v0;
	(pc) =	sbr.rel @p0 .LBB2_2-.Ltmp0, $4  }
0x16: {  	[tilespmem:s22+$0x5030] =	vst v0  }
0x17: {  	[tilespmem:s22+$0x5040] =	vst v0  }
0x18: {  	[tilespmem:s22+$0x5050] =	vst v0  }
0x19: {  	[tilespmem:s22+$0x5060] =	vst v0;
	s22 =	sshra.s32 s23, $0x2;
	s23 =	sadd.s32 $0x200, s23  }
0x1a: {  	[tilespmem:s22+$0x5070] =	vst v0  }
0x1b: {  	[tilespmem:s22+$0x5000] =	vst v0  }
0x1c: {  	[tilespmem:s22+$0x5010] =	vst v0  }
0x1d: {  	[tilespmem:s22+$0x5020] =	vst v0  }
0x1e: {  	[tilespmem:s22+$0x5030] =	vst v0  }
0x1f: {  	[tilespmem:s22+$0x5040] =	vst v0  }
0x20: {  	[tilespmem:s22+$0x5050] =	vst v0  }
0x21: {  	[tilespmem:s22+$0x5060] =	vst v0  }
0x22: {  	[spmem:s5] =	stream.linear.scatter [tilespmem:s13], [sflag:$0x2], $0x4000, $0x38;
	[tilespmem:$0x1CC00] =	vst v63  }
0x23: {  	_ = 	snop  }
0x24: {  	[spmem:s6] =	stream.linear.scatter [tilespmem:s13], [sflag:$0x2], $0x4000, $0x38;
	[tilespmem:$0x1CC00] =	vst v63  }
0x25: {  	_ = 	snop  }
0x26: {  	[spmem:s7] =	stream.linear.scatter [tilespmem:s13], [sflag:$0x2], $0x4000, $0x38;
	[tilespmem:$0x1CC00] =	vst v63  }
0x27: {  	_ = 	snop  }
0x28: {  	[spmem:s8] =	stream.linear.scatter [tilespmem:s13], [sflag:$0x2], $0x4000, $0x38;
	[tilespmem:$0x1CC00] =	vst v63  }
0x29: {  	_ = 	snop  }
0x2a: {  	[spmem:s9] =	stream.linear.scatter [tilespmem:s13], [sflag:$0x2], $0x3C00, $0x38;
	[tilespmem:$0x1CC00] =	vst v63  }
0x2b: {  	s29 =	simm.s32 $0x0  }
0x2c: {  	[tilespmem:s29], [sflag:$0x3] =	stream.linear.gather [hbm4b:s10+s29], $0x2780, $0x38;
	[tilespmem:$0x1CC00] =	vst v63  }
0x2d: {  	_ =	swait.ge [sflag:s14], $0x2780  }
0x2e: {  	[sflag:s14] =	ssyncset.done $0x0  }
0x2f: {  	[sflag:s14] =	ssyncadd.s32 $0xFFFFD880  }
0x30: {  	[tilespmem:s15], [sflag:$0x3] =	stream.linear.gather [hbm4b:s11+s29], $0x2780, $0x38;
	[tilespmem:$0x1CC00] =	vst v63  }
0x31: {  	_ =	swait.ge [sflag:s14], $0x2780  }
0x32: {  	[sflag:s14] =	ssyncset.done $0x0  }
0x33: {  	[sflag:s14] =	ssyncadd.s32 $0xFFFFD880  }
0x34: {  	_ =	swait.ge [sflag:s16], $0x4000  }
0x35: {  	[sflag:s16] =	ssyncset.done $0x0  }
0x36: {  	[sflag:s16] =	ssyncadd.s32 $0xFFFFC000  }
0x37: {  	_ =	swait.ge [sflag:s16], $0x4000  }
0x38: {  	[sflag:s16] =	ssyncset.done $0x0  }
0x39: {  	[sflag:s16] =	ssyncadd.s32 $0xFFFFC000  }
0x3a: {  	_ =	swait.ge [sflag:s16], $0x4000  }
0x3b: {  	[sflag:s16] =	ssyncset.done $0x0  }
0x3c: {  	[sflag:s16] =	ssyncadd.s32 $0xFFFFC000  }
0x3d: {  	_ =	swait.ge [sflag:s16], $0x4000  }
0x3e: {  	[sflag:s16] =	ssyncset.done $0x0  }
0x3f: {  	[sflag:s16] =	ssyncadd.s32 $0xFFFFC000  }
0x40: {  	_ =	swait.ge [sflag:s16], $0x3C00  }
0x41: {  	[sflag:s16] =	ssyncset.done $0x0  }
0x42: {  	[sflag:s16] =	ssyncadd.s32 $0xFFFFC400  }
0x43: {  	s30 =	simm.s32 $0x0;
	[bflag:$0x0] =	sbarrier.arrive $0xFFFF  }
0x44: {  	[tilespmem:s13], [sflag:$0x1] =	stream.indirect.gather [hbm4b:s1+s17], $0x80, s30, s17, $0xb8;
	[tilespmem:$0x1CC00] =	vst v63  }
0x45: {  	_ =	swait.ge [sflag:s18], $0x4000  }
0x46: {  	[sflag:s18] =	ssyncset.done $0x0  }
0x47: {  	s31 =	simm.s32 $0x2800;
	[sflag:s18] =	ssyncadd.s32 $0xFFFFC000  }
0x48: {  	[spmem:s3] =	stream.indirect.scatter.add.f32 [tilespmem:s13], [sflag:$0x3], $0x80, s31, s17, $0xb8;
	[tilespmem:$0x1CC00] =	vst v63  }
0x49: {  	_ =	swait.ge [sflag:s14], $0x4000  }
0x4a: {  	s22 =	simm.s32 $0x200;
	s23 =	simm.s32 $0x400;
	[sflag:s14] =	ssyncset.done $0x0  }
.LBB2_4:
0x4b: {  	s24 =	sshra.s32 s22, $0x2  }
0x4c: {  	[sflag:s14] =	ssyncadd.s32 $0xFFFFC000;
	s22 =	smov.u32 s23;
	s25 =	sadd.s32 $0x200, s23  }
0x4d: {  	[tilespmem:s13], [sflag:$0x1] =	stream.indirect.gather [hbm4b:s1+s17], $0x80, s24, s17, $0xb8;
	[tilespmem:$0x1CC00] =	vst v63  }
0x4e: {  	p0 =	sne.s32 s23, $0x9C00;
	_ =	swait.ge [sflag:s18], $0x4000  }
.Ltmp1:
0x4f: {  	[sflag:s18] =	ssyncset.done $0x0;
	(pc) =	sbr.rel @p0 .LBB2_4-.Ltmp1, $4  }
0x50: {  	s23 =	sadd.s32 $0x2800, s24;
	[sflag:s18] =	ssyncadd.s32 $0xFFFFC000  }
0x51: {  	[spmem:s3] =	stream.indirect.scatter.add.f32 [tilespmem:s13], [sflag:$0x3], $0x80, s23, s17, $0xb8;
	[tilespmem:$0x1CC00] =	vst v63  }
0x52: {  	_ =	swait.ge [sflag:s14], $0x4000  }
0x53: {  	s23 =	smov.u32 s25;
	[sflag:s14] =	ssyncset.done $0x0  }
0x54: {  	s22 =	sshra.s32 s22, $0x2;
	[sflag:s14] =	ssyncadd.s32 $0xFFFFC000  }
0x55: {  	[tilespmem:s13], [sflag:$0x1] =	stream.indirect.gather [hbm4b:s1+s17], $0x80, s22, s17, $0xb8;
	[tilespmem:$0x1CC00] =	vst v63  }
0x56: {  	_ =	swait.ge [sflag:s18], $0x4000  }
0x57: {  	[sflag:s18] =	ssyncset.done $0x0  }
0x58: {  	s22 =	sadd.s32 $0x2800, s22;
	[sflag:s18] =	ssyncadd.s32 $0xFFFFC000  }
0x59: {  	[spmem:s3] =	stream.indirect.scatter.add.f32 [tilespmem:s13], [sflag:$0x3], $0x80, s22, s17, $0xb8;
	[tilespmem:$0x1CC00] =	vst v63  }
0x5a: {  	_ =	swait.ge [sflag:s14], $0x4000  }
0x5b: {  	s4 =	sadd.s32 $0x1, s4;
	[sflag:s14] =	ssyncset.done $0x0  }
0x5c: {  	p0 =	sne.s32 s4, s12;
	[sflag:s14] =	ssyncadd.s32 $0xFFFFC000  }
.Ltmp2:
0x5d: {  	[bflag:$0x0] =	sbarrier.arrive $0xFFFF;
	(pc) =	sbr.rel @p0 .LBB2_1-.Ltmp2, $4  }
0x5e: {  	[hbm:s19], [sflag:s20] =	dma.local [spmem:s21], $0x2780  }
0x5f: {  	_ =	swait.ge [sflag:s14], $0x2780  }
0x60: {  	[sflag:s14] =	ssyncset.done $0x0  }
0x61: {  	[sflag:s14] =	ssyncadd.s32 $0xFFFFD880  }
0x62: {  	_ =	sfence.sel $0x180000  }
0x63: {  	[bflag:$0x0] =	sbarrier.arrive $0xFFFF  }
0x64: {  	p0 =	sne.s32 s2, $0x0;
	_ =	strace $0x9000004A  }
0x65: {  	s0 =	sadd.s32 @!p0 $0x100000, s0;
	[bflag:$0x2] =	sbarrier.arrive $0xFFFF  }
0x66: {  	[sflag:s0] =	ssyncadd.tile.s32 @!p0 $0x1;
	_ =	shalt  }
.Lfunc_end2:
_tile_overlayer_lowered:
.L_overlay_start_2:
0x67: {  	(tag) =	ssettag $0x2  }
0x68: {  	s0 =	rddreg [dreg:$0x0];
	s2 =	stileid.u32  }
0x69: {  	s1 =	rddreg [dreg:$0x1];
	p0 =	sne.s32 s2, $0x0  }
0x6a: {  	s3 =	rddreg [dreg:$0x2];
	[bflag:$0x3] =	sbarrier.arrive $0xFFFF;
	s2 =	simm.s32 @!p0 $0x1C03  }
0x6b: {  	[timem:s3], [sflag:s2] =	dma.local @!p0 [hbm:s0], s1  }
0x6c: {  	s0 =	simm.s32 @!p0 $0x3  }
0x6d: {  	_ =	swait.ge @!p0 [sflag:s0], s1  }
0x6e: {  	s1 =	ssub.s32 @!p0 $0x0, s1;
	[sflag:s0] =	ssyncset.done @!p0 $0x0  }
0x6f: {  	[sflag:s0] =	ssyncadd.s32 @!p0 s1  }
0x70: {  	[bflag:$0x3] =	sbarrier.arrive $0xFFFF  }
0x71: {  	_ =	shalt  }

// kernel: kernel.15.cloned.1.call-start
scs
__scs_entry_jumppad:
0x0: {  	(pc) =	sbr.rel $0x88, $3  }
0x1: {  	(tag) =	ssettag $0x0;
	lr =	simm.s32 $0x1  }
0x2: {  	[smem:$0x3F9B] =	sst lr;
	_ =	strace $0xD0000000  }
0x3: {  	_ = 	snop  }
0x4: {  	_ = 	snop  }
0x5: {  	_ = 	snop  }
0x6: {  	_ = 	snop  }
0x7: {  	_ = 	snop  }
__scs_overlays_trampoline_lowered:
0x8: {  	[smem:$0x3FAA] =	sst s0  }
0x9: {  	[smem:$0x3FAB] =	sst s1  }
0xa: {  	[smem:$0x3FAC] =	sst s2  }
0xb: {  	[smem:$0x3FAD] =	sst s3  }
0xc: {  	[smem:$0x3FAE] =	sst s4  }
0xd: {  	[smem:$0x3FAF] =	sst s5  }
0xe: {  	[smem:$0x3FB0] =	sst s6  }
0xf: {  	[smem:$0x3FB1] =	sst s7  }
0x10: {  	[smem:$0x3FB2] =	sst s8  }
0x11: {  	[smem:$0x3FB3] =	sst s9;
	s0 =	simm.s32 @!p0 $0x0  }
0x12: {  	s1 =	sld [smem:$0x3F99];
	s0 =	simm.s32 @p0 $0x1  }
0x13: {  	[smem:$0x3FB4] =	sst s0;
	s0 =	simm.s32 @!p1 $0x0  }
0x14: {  	s2 =	sld [smem:$0x3F98];
	s0 =	simm.s32 @p1 $0x1  }
0x15: {  	[smem:$0x3FB5] =	sst s0;
	s0 =	simm.s32 @!p2 $0x0  }
0x16: {  	s3 =	sld [smem:$0x3FDB];
	s0 =	simm.s32 @p2 $0x1  }
0x17: {  	s4 =	simm.s32 $0x1BF5;
	[smem:$0x3FB7] =	sst s0  }
0x18: {  	s0 =	sld [smem:$0x3F9A];
	_ =	swait.ge [sflag:s4], $0x0  }
0x19: {  	s7 =	sld [smem:$0x3F9B]  }
0x1a: {  	s8 =	sadd.s32 $0xFFFFE003, lr  }
0x1b: {  	s9 =	sadd.s32 $0xFFFFFEF7, lr;
	s5 =	simm.s32 $0xFFFFFFFF;
	p2 =	slt.u32 s8, $0xFFFFF086  }
0x1c: {  	p1 =	slt.u32 s9, $0xF7A;
	s5 =	simm.s32 @!p2 $0x0  }
0x1d: {  	s5 =	simm.s32 @p1 $0x1;
	p0 =	seq.s32 s7, s2  }
0x1e: {  	s7 =	smul.u32 @!p0 $0xF7A, s2;
	p2 =	seq.s32 @!p0 s5, $0x0  }
0x1f: {  	s9 =	smul.u32 $0xF7A, s1;
	s8 =	simm.s32 @!p0 $0x1BF5;
	p2 =	por !p2, p0  }
0x20: {  	[sflag:s8] =	ssyncset.s32 @!p0 $0xFFFFF086;
	s6 =	sadd.s32 @!p0 s3, s7;
	s7 =	simm.s32 @!p0 $0x108  }
0x21: {  	s3 =	sadd.s32 s3, s9;
	s6 =	sadd.s32 @!p0 $0x88, s6;
	s7 =	simm.s32 @p2 $0x1082  }
0x22: {  	[simem:s7], [sflag:s8] =	dma.local @!p0 [hbm:s6], $0xF7A  }
0x23: {  	s9 =	sor.u32 $0xD0000000, s2;
	s6 =	simm.s32 $0x108;
	_ =	swait.ge @!p0 [sflag:s8], $0x0  }
0x24: {  	s3 =	sadd.s32 $0x88, s3;
	s6 =	simm.s32 @!p1 $0x1082;
	[sflag:s4] =	ssyncset.s32 $0xFFFFF086  }
0x25: {  	[simem:s6], [sflag:s4] =	dma.local [hbm:s3], $0xF7A  }
0x26: {  	[smem:$0x3F9B] =	sst s1;
	(tag) =	ssettag s2;
	_ =	strace s9  }
0x27: {  	s1 =	sld [smem:$0x3FAB]  }
0x28: {  	s2 =	sld [smem:$0x3FAC]  }
0x29: {  	s4 =	sld [smem:$0x3FAE]  }
0x2a: {  	p0 =	seq.s32 s5, $0x0;
	s5 =	sld [smem:$0x3FAF]  }
0x2b: {  	s6 =	sld [smem:$0x3FB0]  }
0x2c: {  	s7 =	sld [smem:$0x3FB1]  }
0x2d: {  	s3 =	simm.s32 $0x108;
	s8 =	sld [smem:$0x3FB2]  }
0x2e: {  	s3 =	simm.s32 @!p0 $0x1082;
	s9 =	sld [smem:$0x3FB3]  }
0x2f: {  	lr =	sadd.s32 s0, s3;
	s0 =	sld [smem:$0x3FAA]  }
0x30: {  	s3 =	sld [smem:$0x3FAD]  }
0x31: {  	[smem:$0x3FB6] =	sst s10  }
0x32: {  	s10 =	sld [smem:$0x3FB4];
	_ =	sdelay $0x3  }
0x33: {  	p0 =	seq.s32 s10, $0x1;
	s10 =	sld [smem:$0x3FB6];
	_ =	sdelay $0x3  }
0x34: {  	[smem:$0x3FB6] =	sst s10  }
0x35: {  	s10 =	sld [smem:$0x3FB5];
	_ =	sdelay $0x3  }
0x36: {  	p1 =	seq.s32 s10, $0x1;
	s10 =	sld [smem:$0x3FB6];
	_ =	sdelay $0x3  }
0x37: {  	[smem:$0x3FB6] =	sst s10  }
0x38: {  	s10 =	sld [smem:$0x3FB7]  }
0x39: {  	_ = 	snop;
	(pc) =	sbr.ind lr, $3  }
0x3a: {  	_ = 	snop  }
0x3b: {  	_ = 	snop  }
0x3c: {  	p2 =	seq.s32 s10, $0x1;
	s10 =	sld [smem:$0x3FB6]  }
0x3d: {  	_ =	shalt  }
0x3e: {  	_ =	shalt  }
0x3f: {  	_ =	shalt  }
0x40: {  	_ =	shalt  }
0x41: {  	_ =	shalt  }
0x42: {  	_ =	shalt  }
0x43: {  	_ =	shalt  }
0x44: {  	_ =	shalt  }
0x45: {  	_ =	shalt  }
0x46: {  	_ =	shalt  }
0x47: {  	_ =	shalt  }
0x48: {  	_ =	shalt  }
0x49: {  	_ =	shalt  }
0x4a: {  	_ =	shalt  }
0x4b: {  	_ =	shalt  }
0x4c: {  	_ =	shalt  }
0x4d: {  	_ =	shalt  }
0x4e: {  	_ =	shalt  }
0x4f: {  	_ =	shalt  }
0x50: {  	_ =	shalt  }
0x51: {  	_ =	shalt  }
0x52: {  	_ =	shalt  }
0x53: {  	_ =	shalt  }
0x54: {  	_ =	shalt  }
0x55: {  	_ =	shalt  }
0x56: {  	_ =	shalt  }
0x57: {  	_ =	shalt  }
0x58: {  	_ =	shalt  }
0x59: {  	_ =	shalt  }
0x5a: {  	_ =	shalt  }
0x5b: {  	_ =	shalt  }
0x5c: {  	_ =	shalt  }
0x5d: {  	_ =	shalt  }
0x5e: {  	_ =	shalt  }
0x5f: {  	_ =	shalt  }
0x60: {  	_ =	shalt  }
0x61: {  	_ =	shalt  }
0x62: {  	_ =	shalt  }
0x63: {  	_ =	shalt  }
0x64: {  	_ =	shalt  }
0x65: {  	_ =	shalt  }
0x66: {  	_ =	shalt  }
0x67: {  	_ =	shalt  }
0x68: {  	_ =	shalt  }
0x69: {  	_ =	shalt  }
0x6a: {  	_ =	shalt  }
0x6b: {  	_ =	shalt  }
0x6c: {  	_ =	shalt  }
0x6d: {  	_ =	shalt  }
0x6e: {  	_ =	shalt  }
0x6f: {  	_ =	shalt  }
0x70: {  	_ =	shalt  }
0x71: {  	_ =	shalt  }
0x72: {  	_ =	shalt  }
0x73: {  	_ =	shalt  }
0x74: {  	_ =	shalt  }
0x75: {  	_ =	shalt  }
0x76: {  	_ =	shalt  }
0x77: {  	_ =	shalt  }
0x78: {  	_ =	shalt  }
0x79: {  	_ =	shalt  }
0x7a: {  	_ =	shalt  }
0x7b: {  	_ =	shalt  }
0x7c: {  	_ =	shalt  }
0x7d: {  	_ =	shalt  }
0x7e: {  	_ =	shalt  }
0x7f: {  	_ =	shalt  }
0x80: {  	_ =	shalt  }
0x81: {  	_ =	shalt  }
0x82: {  	_ =	shalt  }
0x83: {  	_ =	shalt  }
0x84: {  	_ =	shalt  }
0x85: {  	_ =	shalt  }
0x86: {  	_ =	shalt  }
0x87: {  	_ =	shalt  }
.Lfunc_end0:
.L_simem_size_0:
called_computation.2_lowered:
.L_overlay_start_0:
0x88: {  	s2 =	sld [smem:$0x3FD9]  }
0x89: {  	s3 =	sld [smem:$0x3FFE];
	_ =	sdelay $0x1  }
0x8a: {  	s1 =	srdreg.scid  }
0x8b: {  	s0 =	sand.u32 $0x1, s1  }
0x8c: {  	s17 =	sshll.u32 s0, $0xA;
	s2 =	sadd.s32 s3, s2  }
0x8d: {  	s2 =	sadd.s32 s2, s17  }
0x8e: {  	[smem:$0x3FC2] =	sst s2  }
0x8f: {  	_ = 	snop  }
0x90: {  	s2 =	sld [smem:$0x3FD0];
	(tm) =	ssettm $0x1  }
0x91: {  	s18 =	sld [smem:$0x3FFB];
	_ =	sdelay $0x3  }
0x92: {  	_ =	strace s18  }
0x93: {  	s3 =	sld [smem:$0x3FFC];
	_ =	sdelay $0x3  }
0x94: {  	_ =	strace s3  }
0x95: {  	s3 =	sld [smem:$0x3FFD];
	_ =	sdelay $0x3  }
0x96: {  	_ =	strace s3  }
0x97: {  	_ =	strace $0x8FFFFFFF  }
0x98: {  	s19 =	sld [smem:$0x3FDB];
	_ =	sdelay $0x1  }
0x99: {  	s4 =	simm.s32 $_scs_section_size  }
0x9a: {  	s5 =	simm.s32 $_size__tile_overlayer_lowered;
	s6 =	simm.s32 $_tile_overlayer_lowered  }
0x9b: {  	s22 =	simm.s32 $0x1BFF;
	s21 =	sshll.u32 s6, $0x1;
	s3 =	sadd.s32 s4, s19  }
0x9c: {  	s7 =	simm.s32 $0x0;
	s20 =	sshll.u32 s5, $0x1;
	s5 =	sadd.s32 s21, s3  }
0x9d: {  	[timem:s7], [sflag:s22] =	dma.local [hbm:s5], s20  }
0x9e: {  	_ =	swait.ge [sflag:s22], s20  }
0x9f: {  	s4 =	ssub.s32 $0x0, s20;
	[sflag:s22] =	ssyncset.done $0x0  }
0xa0: {  	[sflag:s22] =	ssyncadd.s32 s4;
	_ =	sdelay $0x1  }
0xa1: {  	s23 =	simm.s32 $0x1B8B  }
0xa2: {  	_ =	swait.ge [sflag:s23], $0x1  }
0xa3: {  	[sflag:s23] =	ssyncset.done $0x0  }
0xa4: {  	s25 =	simm.s32 $0x1B8E;
	s24 =	sld [smem:$0x3FFE];
	[sflag:s23] =	ssyncadd.s32 $0xFFFFFFFF  }
0xa5: {  	s26 =	simm.s32 $execute0_lowered;
	[smem:$0x3FD2] =	sst s25  }
0xa6: {  	s5 =	sshll.u32 s26, $0x1;
	_ =	strace $0x8000004C;
	[dreg:$0x1] =	wrdreg $0xFFFFFFFF  }
0xa7: {  	s28 =	simm.s32 $_size_execute0_lowered;
	s3 =	sadd.s32 s3, s5;
	[dreg:$0x0] =	wrdreg $0x0  }
0xa8: {  	s5 =	sshll.u32 s28, $0x1;
	[dreg:$0x2] =	wrdreg s3  }
0xa9: {  	[dreg:$0x3] =	wrdreg s5  }
0xaa: {  	[dreg:$0x4] =	wrdreg $0xC0  }
0xab: {  	_ =	task [dreg:s7], $0x5FFFF  }
0xac: {  	[dreg:$0x1] =	wrdreg $0xFFFFFFFF  }
0xad: {  	[dreg:$0x0] =	wrdreg $0x60  }
0xae: {  	[dreg:$0x2] =	wrdreg s2  }
0xaf: {  	[dreg:$0x3] =	wrdreg s24  }
0xb0: {  	[dreg:$0x4] =	wrdreg $0x90000  }
0xb1: {  	[dreg:$0x5] =	wrdreg $0x9  }
0xb2: {  	_ =	task.clear_ibuf [dreg:s7], $0x6FFFF;
	_ =	strace $0x9000004C  }
0xb3: {  	s29 =	simm.s32 $0x9;
	_ =	strace $0x8000004E  }
0xb4: {  	_ =	swait.ge [sflag:s29], $0x1  }
0xb5: {  	[sflag:s29] =	ssyncadd.s32 $0xFFFFFFFF  }
0xb6: {  	_ =	strace $0x9000004E  }
0xb7: {  	_ =	sfence  }
0xb8: {  	s30 =	sld [smem:$0x0];
	_ =	sdelay $0x2  }
0xb9: {  	s31 =	sshll.u32 s1, $0xD;
	s1 =	sshrl.u32 s1, $0x2  }
0xba: {  	s3 =	sand.u32 $0x4000, s31;
	s1 =	sadd.s32 s1, s30  }
0xbb: {  	s0 =	sor.u32 s3, s0;
	s1 =	sshll.u32 s1, $0x11  }
0xbc: {  	s0 =	sor.u32 s1, s0  }
0xbd: {  	s0 =	sadd.s32 $0x8F2B, s0  }
0xbe: {  	[sflag:s0] =	ssyncadd.remote.s32 $0x1  }
0xbf: {  	_ =	sfence.sel $0xFFFF  }
0xc0: {  	[dreg:$0x0] =	wrdreg $0xFFFFFFFF;
	(pc) =	sbr.abs _section_cstart, $3  }
0xc1: {  	[dreg:$0x1] =	wrdreg $0xFFFFFFFF  }
0xc2: {  	_ =	task.clear_ibuf [dreg:s7], $0x2FFFF;
	_ =	strace $0x9FFFFFFF  }
0xc3: {  	(tm) =	ssettm $0x7FFFFFFF  }
tec
execute0_lowered:
.L_overlay_start_1:
0x0: {  	(tag) =	ssettag $0x1  }
0x1: {  	s1 =	rddreg [dreg:$0x0]  }
0x2: {  	s6 =	rddreg [dreg:$0x1]  }
0x3: {  	s3 =	rddreg [dreg:$0x2]  }
0x4: {  	s0 =	rddreg [dreg:$0x3];
	s5 =	srdreg.scid  }
0x5: {  	s2 =	stileid.u32;
	s4 =	simm.s32 $0x0;
	s14 =	simm.s32 $0x3  }
0x6: {  	s15 =	simm.s32 $0x2800;
	s16 =	simm.s32 $0x2;
	s17 =	simm.s32 $0x80  }
0x7: {  	s18 =	simm.s32 $0x1;
	s5 =	sand.u32 $0x1, s5;
	s8 =	smul.u32 $0x4F000, s2  }
0x8: {  	s7 =	sshll.u32 s2, $0x1;
	[smem:$0x7FF] =	sst s4;
	s20 =	smul.u32 $0x2780, s2  }
0x9: {  	s21 =	sshll.u32 s2, $0x6;
	s7 =	sor.u32 s5, s7;
	s9 =	smul.u32 $0x27800, s5  }
0xa: {  	s10 =	ssub.s32 $0x2, s5;
	s7 =	smul.u32 $0x500, s7;
	s30 =	sshrl.u32 s8, $0x2  }
0xb: {  	_ =	strace $0x8000004D;
	s31 =	sshrl.u32 s10, $0x1;
	s5 =	sadd.s32 s30, s3  }
0xc: {  	s12 =	sadd.s32 s9, s6;
	s13 =	ssub.s32 s10, s31;
	s11 =	sadd.s32 s7, s6  }
0xd: {  	s6 =	sadd.s32 $0x4000, s5;
	s7 =	sadd.s32 $0x8000, s5;
	s8 =	sadd.s32 $0xC000, s5  }
0xe: {  	s9 =	sadd.s32 $0x10000, s5;
	s19 =	sadd.s32 $0x24E00, s12;
	s12 =	smax.u32 s13, $0x1  }
0xf: {  	s13 =	simm.s32 $0x5000;
	s10 =	sadd.s32 $0x1AE00, s11;
	s11 =	sadd.s32 $0x10E00, s11  }
0x10: {  	v0 =	vimm.f32 $0.0e+00;
	s19 =	sadd.s32 s20, s19;
	s20 =	sor.u32 $0x1C03, s21;
	s21 =	sshrl.u32 s5, $0x3  }
.LBB2_1:
0x11: {  	s22 =	simm.s32 $0x0;
	s23 =	simm.s32 $0x200  }
.LBB2_2:
0x12: {  	p0 =	sne.s32 s23, $0xFE00;
	[tilespmem:s22+$0x5070] =	vst v0  }
0x13: {  	[tilespmem:s22+$0x5000] =	vst v0  }
0x14: {  	[tilespmem:s22+$0x5010] =	vst v0  }
.Ltmp0:
0x15: {  	[tilespmem:s22+$0x5020] =	vst v0;
	(pc) =	sbr.rel @p0 .LBB2_2-.Ltmp0, $4  }
0x16: {  	[tilespmem:s22+$0x5030] =	vst v0  }
0x17: {  	[tilespmem:s22+$0x5040] =	vst v0  }
0x18: {  	[tilespmem:s22+$0x5050] =	vst v0  }
0x19: {  	[tilespmem:s22+$0x5060] =	vst v0;
	s22 =	sshra.s32 s23, $0x2;
	s23 =	sadd.s32 $0x200, s23  }
0x1a: {  	[tilespmem:s22+$0x5070] =	vst v0  }
0x1b: {  	[tilespmem:s22+$0x5000] =	vst v0  }
0x1c: {  	[tilespmem:s22+$0x5010] =	vst v0  }
0x1d: {  	[tilespmem:s22+$0x5020] =	vst v0  }
0x1e: {  	[tilespmem:s22+$0x5030] =	vst v0  }
0x1f: {  	[tilespmem:s22+$0x5040] =	vst v0  }
0x20: {  	[tilespmem:s22+$0x5050] =	vst v0  }
0x21: {  	[tilespmem:s22+$0x5060] =	vst v0  }
0x22: {  	[spmem:s5] =	stream.linear.scatter [tilespmem:s13], [sflag:$0x2], $0x4000, $0x38;
	[tilespmem:$0x1CC00] =	vst v63  }
0x23: {  	_ = 	snop  }
0x24: {  	[spmem:s6] =	stream.linear.scatter [tilespmem:s13], [sflag:$0x2], $0x4000, $0x38;
	[tilespmem:$0x1CC00] =	vst v63  }
0x25: {  	_ = 	snop  }
0x26: {  	[spmem:s7] =	stream.linear.scatter [tilespmem:s13], [sflag:$0x2], $0x4000, $0x38;
	[tilespmem:$0x1CC00] =	vst v63  }
0x27: {  	_ = 	snop  }
0x28: {  	[spmem:s8] =	stream.linear.scatter [tilespmem:s13], [sflag:$0x2], $0x4000, $0x38;
	[tilespmem:$0x1CC00] =	vst v63  }
0x29: {  	_ = 	snop  }
0x2a: {  	[spmem:s9] =	stream.linear.scatter [tilespmem:s13], [sflag:$0x2], $0x3C00, $0x38;
	[tilespmem:$0x1CC00] =	vst v63  }
0x2b: {  	s29 =	simm.s32 $0x0  }
0x2c: {  	[tilespmem:s29], [sflag:$0x3] =	stream.linear.gather [hbm4b:s10+s29], $0x2780, $0x38;
	[tilespmem:$0x1CC00] =	vst v63  }
0x2d: {  	_ =	swait.ge [sflag:s14], $0x2780  }
0x2e: {  	[sflag:s14] =	ssyncset.done $0x0  }
0x2f: {  	[sflag:s14] =	ssyncadd.s32 $0xFFFFD880  }
0x30: {  	[tilespmem:s15], [sflag:$0x3] =	stream.linear.gather [hbm4b:s11+s29], $0x2780, $0x38;
	[tilespmem:$0x1CC00] =	vst v63  }
0x31: {  	_ =	swait.ge [sflag:s14], $0x2780  }
0x32: {  	[sflag:s14] =	ssyncset.done $0x0  }
0x33: {  	[sflag:s14] =	ssyncadd.s32 $0xFFFFD880  }
0x34: {  	_ =	swait.ge [sflag:s16], $0x4000  }
0x35: {  	[sflag:s16] =	ssyncset.done $0x0  }
0x36: {  	[sflag:s16] =	ssyncadd.s32 $0xFFFFC000  }
0x37: {  	_ =	swait.ge [sflag:s16], $0x4000  }
0x38: {  	[sflag:s16] =	ssyncset.done $0x0  }
0x39: {  	[sflag:s16] =	ssyncadd.s32 $0xFFFFC000  }
0x3a: {  	_ =	swait.ge [sflag:s16], $0x4000  }
0x3b: {  	[sflag:s16] =	ssyncset.done $0x0  }
0x3c: {  	[sflag:s16] =	ssyncadd.s32 $0xFFFFC000  }
0x3d: {  	_ =	swait.ge [sflag:s16], $0x4000  }
0x3e: {  	[sflag:s16] =	ssyncset.done $0x0  }
0x3f: {  	[sflag:s16] =	ssyncadd.s32 $0xFFFFC000  }
0x40: {  	_ =	swait.ge [sflag:s16], $0x3C00  }
0x41: {  	[sflag:s16] =	ssyncset.done $0x0  }
0x42: {  	[sflag:s16] =	ssyncadd.s32 $0xFFFFC400  }
0x43: {  	s30 =	simm.s32 $0x0;
	[bflag:$0x0] =	sbarrier.arrive $0xFFFF  }
0x44: {  	[tilespmem:s13], [sflag:$0x1] =	stream.indirect.gather [hbm4b:s1+s17], $0x80, s30, s17, $0xb8;
	[tilespmem:$0x1CC00] =	vst v63  }
0x45: {  	_ =	swait.ge [sflag:s18], $0x4000  }
0x46: {  	[sflag:s18] =	ssyncset.done $0x0  }
0x47: {  	s31 =	simm.s32 $0x2800;
	[sflag:s18] =	ssyncadd.s32 $0xFFFFC000  }
0x48: {  	[spmem:s3] =	stream.indirect.scatter.add.f32 [tilespmem:s13], [sflag:$0x3], $0x80, s31, s17, $0xb8;
	[tilespmem:$0x1CC00] =	vst v63  }
0x49: {  	_ =	swait.ge [sflag:s14], $0x4000  }
0x4a: {  	s22 =	simm.s32 $0x200;
	s23 =	simm.s32 $0x400;
	[sflag:s14] =	ssyncset.done $0x0  }
.LBB2_4:
0x4b: {  	s24 =	sshra.s32 s22, $0x2  }
0x4c: {  	[sflag:s14] =	ssyncadd.s32 $0xFFFFC000;
	s22 =	smov.u32 s23;
	s25 =	sadd.s32 $0x200, s23  }
0x4d: {  	[tilespmem:s13], [sflag:$0x1] =	stream.indirect.gather [hbm4b:s1+s17], $0x80, s24, s17, $0xb8;
	[tilespmem:$0x1CC00] =	vst v63  }
0x4e: {  	p0 =	sne.s32 s23, $0x9C00;
	_ =	swait.ge [sflag:s18], $0x4000  }
.Ltmp1:
0x4f: {  	[sflag:s18] =	ssyncset.done $0x0;
	(pc) =	sbr.rel @p0 .LBB2_4-.Ltmp1, $4  }
0x50: {  	s23 =	sadd.s32 $0x2800, s24;
	[sflag:s18] =	ssyncadd.s32 $0xFFFFC000  }
0x51: {  	[spmem:s3] =	stream.indirect.scatter.add.f32 [tilespmem:s13], [sflag:$0x3], $0x80, s23, s17, $0xb8;
	[tilespmem:$0x1CC00] =	vst v63  }
0x52: {  	_ =	swait.ge [sflag:s14], $0x4000  }
0x53: {  	s23 =	smov.u32 s25;
	[sflag:s14] =	ssyncset.done $0x0  }
0x54: {  	s22 =	sshra.s32 s22, $0x2;
	[sflag:s14] =	ssyncadd.s32 $0xFFFFC000  }
0x55: {  	[tilespmem:s13], [sflag:$0x1] =	stream.indirect.gather [hbm4b:s1+s17], $0x80, s22, s17, $0xb8;
	[tilespmem:$0x1CC00] =	vst v63  }
0x56: {  	_ =	swait.ge [sflag:s18], $0x4000  }
0x57: {  	[sflag:s18] =	ssyncset.done $0x0  }
0x58: {  	s22 =	sadd.s32 $0x2800, s22;
	[sflag:s18] =	ssyncadd.s32 $0xFFFFC000  }
0x59: {  	[spmem:s3] =	stream.indirect.scatter.add.f32 [tilespmem:s13], [sflag:$0x3], $0x80, s22, s17, $0xb8;
	[tilespmem:$0x1CC00] =	vst v63  }
0x5a: {  	_ =	swait.ge [sflag:s14], $0x4000  }
0x5b: {  	s4 =	sadd.s32 $0x1, s4;
	[sflag:s14] =	ssyncset.done $0x0  }
0x5c: {  	p0 =	sne.s32 s4, s12;
	[sflag:s14] =	ssyncadd.s32 $0xFFFFC000  }
.Ltmp2:
0x5d: {  	[bflag:$0x0] =	sbarrier.arrive $0xFFFF;
	(pc) =	sbr.rel @p0 .LBB2_1-.Ltmp2, $4  }
0x5e: {  	[hbm:s19], [sflag:s20] =	dma.local [spmem:s21], $0x2780  }
0x5f: {  	_ =	swait.ge [sflag:s14], $0x2780  }
0x60: {  	[sflag:s14] =	ssyncset.done $0x0  }
0x61: {  	[sflag:s14] =	ssyncadd.s32 $0xFFFFD880  }
0x62: {  	_ =	sfence.sel $0x180000  }
0x63: {  	[bflag:$0x0] =	sbarrier.arrive $0xFFFF  }
0x64: {  	p0 =	sne.s32 s2, $0x0;
	_ =	strace $0x9000004D  }
0x65: {  	s0 =	sadd.s32 @!p0 $0x100000, s0;
	[bflag:$0x2] =	sbarrier.arrive $0xFFFF  }
0x66: {  	[sflag:s0] =	ssyncadd.tile.s32 @!p0 $0x1;
	_ =	shalt  }
.Lfunc_end2:
_tile_overlayer_lowered:
.L_overlay_start_2:
0x67: {  	(tag) =	ssettag $0x2  }
0x68: {  	s0 =	rddreg [dreg:$0x0];
	s2 =	stileid.u32  }
0x69: {  	s1 =	rddreg [dreg:$0x1];
	p0 =	sne.s32 s2, $0x0  }
0x6a: {  	s3 =	rddreg [dreg:$0x2];
	[bflag:$0x3] =	sbarrier.arrive $0xFFFF;
	s2 =	simm.s32 @!p0 $0x1C03  }
0x6b: {  	[timem:s3], [sflag:s2] =	dma.local @!p0 [hbm:s0], s1  }
0x6c: {  	s0 =	simm.s32 @!p0 $0x3  }
0x6d: {  	_ =	swait.ge @!p0 [sflag:s0], s1  }
0x6e: {  	s1 =	ssub.s32 @!p0 $0x0, s1;
	[sflag:s0] =	ssyncset.done @!p0 $0x0  }
0x6f: {  	[sflag:s0] =	ssyncadd.s32 @!p0 s1  }
0x70: {  	[bflag:$0x3] =	sbarrier.arrive $0xFFFF  }
0x71: {  	_ =	shalt  }

// kernel: kernel.9.cloned.1.call-start
scs
__scs_entry_jumppad:
0x0: {  	(pc) =	sbr.rel $0x88, $3  }
0x1: {  	(tag) =	ssettag $0x0;
	lr =	simm.s32 $0x1  }
0x2: {  	[smem:$0x3F9B] =	sst lr;
	_ =	strace $0xD0000000  }
0x3: {  	_ = 	snop  }
0x4: {  	_ = 	snop  }
0x5: {  	_ = 	snop  }
0x6: {  	_ = 	snop  }
0x7: {  	_ = 	snop  }
__scs_overlays_trampoline_lowered:
0x8: {  	[smem:$0x3FAA] =	sst s0  }
0x9: {  	[smem:$0x3FAB] =	sst s1  }
0xa: {  	[smem:$0x3FAC] =	sst s2  }
0xb: {  	[smem:$0x3FAD] =	sst s3  }
0xc: {  	[smem:$0x3FAE] =	sst s4  }
0xd: {  	[smem:$0x3FAF] =	sst s5  }
0xe: {  	[smem:$0x3FB0] =	sst s6  }
0xf: {  	[smem:$0x3FB1] =	sst s7  }
0x10: {  	[smem:$0x3FB2] =	sst s8  }
0x11: {  	[smem:$0x3FB3] =	sst s9;
	s0 =	simm.s32 @!p0 $0x0  }
0x12: {  	s1 =	sld [smem:$0x3F99];
	s0 =	simm.s32 @p0 $0x1  }
0x13: {  	[smem:$0x3FB4] =	sst s0;
	s0 =	simm.s32 @!p1 $0x0  }
0x14: {  	s2 =	sld [smem:$0x3F98];
	s0 =	simm.s32 @p1 $0x1  }
0x15: {  	[smem:$0x3FB5] =	sst s0;
	s0 =	simm.s32 @!p2 $0x0  }
0x16: {  	s3 =	sld [smem:$0x3FDB];
	s0 =	simm.s32 @p2 $0x1  }
0x17: {  	s4 =	simm.s32 $0x1BF5;
	[smem:$0x3FB7] =	sst s0  }
0x18: {  	s0 =	sld [smem:$0x3F9A];
	_ =	swait.ge [sflag:s4], $0x0  }
0x19: {  	s7 =	sld [smem:$0x3F9B]  }
0x1a: {  	s8 =	sadd.s32 $0xFFFFE003, lr  }
0x1b: {  	s9 =	sadd.s32 $0xFFFFFEF7, lr;
	s5 =	simm.s32 $0xFFFFFFFF;
	p2 =	slt.u32 s8, $0xFFFFF086  }
0x1c: {  	p1 =	slt.u32 s9, $0xF7A;
	s5 =	simm.s32 @!p2 $0x0  }
0x1d: {  	s5 =	simm.s32 @p1 $0x1;
	p0 =	seq.s32 s7, s2  }
0x1e: {  	s7 =	smul.u32 @!p0 $0xF7A, s2;
	p2 =	seq.s32 @!p0 s5, $0x0  }
0x1f: {  	s9 =	smul.u32 $0xF7A, s1;
	s8 =	simm.s32 @!p0 $0x1BF5;
	p2 =	por !p2, p0  }
0x20: {  	[sflag:s8] =	ssyncset.s32 @!p0 $0xFFFFF086;
	s6 =	sadd.s32 @!p0 s3, s7;
	s7 =	simm.s32 @!p0 $0x108  }
0x21: {  	s3 =	sadd.s32 s3, s9;
	s6 =	sadd.s32 @!p0 $0x88, s6;
	s7 =	simm.s32 @p2 $0x1082  }
0x22: {  	[simem:s7], [sflag:s8] =	dma.local @!p0 [hbm:s6], $0xF7A  }
0x23: {  	s9 =	sor.u32 $0xD0000000, s2;
	s6 =	simm.s32 $0x108;
	_ =	swait.ge @!p0 [sflag:s8], $0x0  }
0x24: {  	s3 =	sadd.s32 $0x88, s3;
	s6 =	simm.s32 @!p1 $0x1082;
	[sflag:s4] =	ssyncset.s32 $0xFFFFF086  }
0x25: {  	[simem:s6], [sflag:s4] =	dma.local [hbm:s3], $0xF7A  }
0x26: {  	[smem:$0x3F9B] =	sst s1;
	(tag) =	ssettag s2;
	_ =	strace s9  }
0x27: {  	s1 =	sld [smem:$0x3FAB]  }
0x28: {  	s2 =	sld [smem:$0x3FAC]  }
0x29: {  	s4 =	sld [smem:$0x3FAE]  }
0x2a: {  	p0 =	seq.s32 s5, $0x0;
	s5 =	sld [smem:$0x3FAF]  }
0x2b: {  	s6 =	sld [smem:$0x3FB0]  }
0x2c: {  	s7 =	sld [smem:$0x3FB1]  }
0x2d: {  	s3 =	simm.s32 $0x108;
	s8 =	sld [smem:$0x3FB2]  }
0x2e: {  	s3 =	simm.s32 @!p0 $0x1082;
	s9 =	sld [smem:$0x3FB3]  }
0x2f: {  	lr =	sadd.s32 s0, s3;
	s0 =	sld [smem:$0x3FAA]  }
0x30: {  	s3 =	sld [smem:$0x3FAD]  }
0x31: {  	[smem:$0x3FB6] =	sst s10  }
0x32: {  	s10 =	sld [smem:$0x3FB4];
	_ =	sdelay $0x3  }
0x33: {  	p0 =	seq.s32 s10, $0x1;
	s10 =	sld [smem:$0x3FB6];
	_ =	sdelay $0x3  }
0x34: {  	[smem:$0x3FB6] =	sst s10  }
0x35: {  	s10 =	sld [smem:$0x3FB5];
	_ =	sdelay $0x3  }
0x36: {  	p1 =	seq.s32 s10, $0x1;
	s10 =	sld [smem:$0x3FB6];
	_ =	sdelay $0x3  }
0x37: {  	[smem:$0x3FB6] =	sst s10  }
0x38: {  	s10 =	sld [smem:$0x3FB7]  }
0x39: {  	_ = 	snop;
	(pc) =	sbr.ind lr, $3  }
0x3a: {  	_ = 	snop  }
0x3b: {  	_ = 	snop  }
0x3c: {  	p2 =	seq.s32 s10, $0x1;
	s10 =	sld [smem:$0x3FB6]  }
0x3d: {  	_ =	shalt  }
0x3e: {  	_ =	shalt  }
0x3f: {  	_ =	shalt  }
0x40: {  	_ =	shalt  }
0x41: {  	_ =	shalt  }
0x42: {  	_ =	shalt  }
0x43: {  	_ =	shalt  }
0x44: {  	_ =	shalt  }
0x45: {  	_ =	shalt  }
0x46: {  	_ =	shalt  }
0x47: {  	_ =	shalt  }
0x48: {  	_ =	shalt  }
0x49: {  	_ =	shalt  }
0x4a: {  	_ =	shalt  }
0x4b: {  	_ =	shalt  }
0x4c: {  	_ =	shalt  }
0x4d: {  	_ =	shalt  }
0x4e: {  	_ =	shalt  }
0x4f: {  	_ =	shalt  }
0x50: {  	_ =	shalt  }
0x51: {  	_ =	shalt  }
0x52: {  	_ =	shalt  }
0x53: {  	_ =	shalt  }
0x54: {  	_ =	shalt  }
0x55: {  	_ =	shalt  }
0x56: {  	_ =	shalt  }
0x57: {  	_ =	shalt  }
0x58: {  	_ =	shalt  }
0x59: {  	_ =	shalt  }
0x5a: {  	_ =	shalt  }
0x5b: {  	_ =	shalt  }
0x5c: {  	_ =	shalt  }
0x5d: {  	_ =	shalt  }
0x5e: {  	_ =	shalt  }
0x5f: {  	_ =	shalt  }
0x60: {  	_ =	shalt  }
0x61: {  	_ =	shalt  }
0x62: {  	_ =	shalt  }
0x63: {  	_ =	shalt  }
0x64: {  	_ =	shalt  }
0x65: {  	_ =	shalt  }
0x66: {  	_ =	shalt  }
0x67: {  	_ =	shalt  }
0x68: {  	_ =	shalt  }
0x69: {  	_ =	shalt  }
0x6a: {  	_ =	shalt  }
0x6b: {  	_ =	shalt  }
0x6c: {  	_ =	shalt  }
0x6d: {  	_ =	shalt  }
0x6e: {  	_ =	shalt  }
0x6f: {  	_ =	shalt  }
0x70: {  	_ =	shalt  }
0x71: {  	_ =	shalt  }
0x72: {  	_ =	shalt  }
0x73: {  	_ =	shalt  }
0x74: {  	_ =	shalt  }
0x75: {  	_ =	shalt  }
0x76: {  	_ =	shalt  }
0x77: {  	_ =	shalt  }
0x78: {  	_ =	shalt  }
0x79: {  	_ =	shalt  }
0x7a: {  	_ =	shalt  }
0x7b: {  	_ =	shalt  }
0x7c: {  	_ =	shalt  }
0x7d: {  	_ =	shalt  }
0x7e: {  	_ =	shalt  }
0x7f: {  	_ =	shalt  }
0x80: {  	_ =	shalt  }
0x81: {  	_ =	shalt  }
0x82: {  	_ =	shalt  }
0x83: {  	_ =	shalt  }
0x84: {  	_ =	shalt  }
0x85: {  	_ =	shalt  }
0x86: {  	_ =	shalt  }
0x87: {  	_ =	shalt  }
.Lfunc_end0:
.L_simem_size_0:
called_computation_lowered:
.L_overlay_start_0:
0x88: {  	s2 =	sld [smem:$0x3FD9]  }
0x89: {  	s3 =	sld [smem:$0x3FFE];
	_ =	sdelay $0x1  }
0x8a: {  	s1 =	srdreg.scid  }
0x8b: {  	s0 =	sand.u32 $0x1, s1  }
0x8c: {  	s17 =	sshll.u32 s0, $0xA;
	s2 =	sadd.s32 s3, s2  }
0x8d: {  	s2 =	sadd.s32 s2, s17  }
0x8e: {  	[smem:$0x3FC2] =	sst s2  }
0x8f: {  	_ = 	snop  }
0x90: {  	s2 =	sld [smem:$0x3FD0];
	(tm) =	ssettm $0x1  }
0x91: {  	s18 =	sld [smem:$0x3FFB];
	_ =	sdelay $0x3  }
0x92: {  	_ =	strace s18  }
0x93: {  	s3 =	sld [smem:$0x3FFC];
	_ =	sdelay $0x3  }
0x94: {  	_ =	strace s3  }
0x95: {  	s3 =	sld [smem:$0x3FFD];
	_ =	sdelay $0x3  }
0x96: {  	_ =	strace s3  }
0x97: {  	_ =	strace $0x8FFFFFFF  }
0x98: {  	s19 =	sld [smem:$0x3FDB];
	_ =	sdelay $0x1  }
0x99: {  	s4 =	simm.s32 $_scs_section_size  }
0x9a: {  	s5 =	simm.s32 $_size__tile_overlayer_lowered;
	s6 =	simm.s32 $_tile_overlayer_lowered  }
0x9b: {  	s22 =	simm.s32 $0x1BFF;
	s21 =	sshll.u32 s6, $0x1;
	s3 =	sadd.s32 s4, s19  }
0x9c: {  	s7 =	simm.s32 $0x0;
	s20 =	sshll.u32 s5, $0x1;
	s5 =	sadd.s32 s21, s3  }
0x9d: {  	[timem:s7], [sflag:s22] =	dma.local [hbm:s5], s20  }
0x9e: {  	_ =	swait.ge [sflag:s22], s20  }
0x9f: {  	s4 =	ssub.s32 $0x0, s20;
	[sflag:s22] =	ssyncset.done $0x0  }
0xa0: {  	[sflag:s22] =	ssyncadd.s32 s4;
	_ =	sdelay $0x1  }
0xa1: {  	s23 =	simm.s32 $0x1B8B  }
0xa2: {  	_ =	swait.ge [sflag:s23], $0x1  }
0xa3: {  	[sflag:s23] =	ssyncset.done $0x0  }
0xa4: {  	s25 =	simm.s32 $0x1B8E;
	s24 =	sld [smem:$0x3FFE];
	[sflag:s23] =	ssyncadd.s32 $0xFFFFFFFF  }
0xa5: {  	s26 =	simm.s32 $execute0_lowered;
	[smem:$0x3FD2] =	sst s25  }
0xa6: {  	s5 =	sshll.u32 s26, $0x1;
	_ =	strace $0x80000046;
	[dreg:$0x1] =	wrdreg $0xFFFFFFFF  }
0xa7: {  	s28 =	simm.s32 $_size_execute0_lowered;
	s3 =	sadd.s32 s3, s5;
	[dreg:$0x0] =	wrdreg $0x0  }
0xa8: {  	s5 =	sshll.u32 s28, $0x1;
	[dreg:$0x2] =	wrdreg s3  }
0xa9: {  	[dreg:$0x3] =	wrdreg s5  }
0xaa: {  	[dreg:$0x4] =	wrdreg $0xC0  }
0xab: {  	_ =	task [dreg:s7], $0x5FFFF  }
0xac: {  	[dreg:$0x1] =	wrdreg $0xFFFFFFFF  }
0xad: {  	[dreg:$0x0] =	wrdreg $0x60  }
0xae: {  	[dreg:$0x2] =	wrdreg s2  }
0xaf: {  	[dreg:$0x3] =	wrdreg s24  }
0xb0: {  	[dreg:$0x4] =	wrdreg $0x2F800  }
0xb1: {  	[dreg:$0x5] =	wrdreg $0x9  }
0xb2: {  	_ =	task.clear_ibuf [dreg:s7], $0x6FFFF;
	_ =	strace $0x90000046  }
0xb3: {  	s29 =	simm.s32 $0x9;
	_ =	strace $0x80000048  }
0xb4: {  	_ =	swait.ge [sflag:s29], $0x1  }
0xb5: {  	[sflag:s29] =	ssyncadd.s32 $0xFFFFFFFF  }
0xb6: {  	_ =	strace $0x90000048  }
0xb7: {  	_ =	sfence  }
0xb8: {  	s30 =	sld [smem:$0x0];
	_ =	sdelay $0x2  }
0xb9: {  	s31 =	sshll.u32 s1, $0xD;
	s1 =	sshrl.u32 s1, $0x2  }
0xba: {  	s3 =	sand.u32 $0x4000, s31;
	s1 =	sadd.s32 s1, s30  }
0xbb: {  	s0 =	sor.u32 s3, s0;
	s1 =	sshll.u32 s1, $0x11  }
0xbc: {  	s0 =	sor.u32 s1, s0  }
0xbd: {  	s0 =	sadd.s32 $0x8F2B, s0  }
0xbe: {  	[sflag:s0] =	ssyncadd.remote.s32 $0x1  }
0xbf: {  	_ =	sfence.sel $0xFFFF  }
0xc0: {  	[dreg:$0x0] =	wrdreg $0xFFFFFFFF;
	(pc) =	sbr.abs _section_cstart, $3  }
0xc1: {  	[dreg:$0x1] =	wrdreg $0xFFFFFFFF  }
0xc2: {  	_ =	task.clear_ibuf [dreg:s7], $0x2FFFF;
	_ =	strace $0x9FFFFFFF  }
0xc3: {  	(tm) =	ssettm $0x7FFFFFFF  }
tec
execute0_lowered:
.L_overlay_start_1:
0x0: {  	(tag) =	ssettag $0x1  }
0x1: {  	s6 =	rddreg [dreg:$0x0]  }
0x2: {  	s4 =	rddreg [dreg:$0x1]  }
0x3: {  	s2 =	rddreg [dreg:$0x2];
	s1 =	stileid.u32  }
0x4: {  	s0 =	rddreg [dreg:$0x3];
	s3 =	simm.s32 $0x0;
	s7 =	srdreg.scid  }
0x5: {  	s5 =	smul.u32 $0x2780, s1;
	[smem:$0x7FF] =	sst s3  }
0x6: {  	s7 =	sand.u32 $0x1, s7;
	s10 =	sshll.u32 s1, $0x1;
	s30 =	sshll.u32 s1, $0x6  }
0x7: {  	_ =	strace $0x80000047;
	s8 =	smul.u32 $0x4F00, s7;
	s9 =	ssub.s32 $0x2, s7  }
0x8: {  	s7 =	sor.u32 s7, s10;
	s10 =	simm.s32 $0x80;
	s12 =	sshrl.u32 s5, $0x3  }
0x9: {  	s13 =	sshrl.u32 s9, $0x1;
	s7 =	smul.u32 $0x4F0, s7;
	s29 =	sadd.s32 s5, s2  }
0xa: {  	s5 =	sor.u32 $0x1C01, s30;
	s11 =	sadd.s32 s12, s4;
	s8 =	sadd.s32 s8, s4  }
0xb: {  	s9 =	ssub.s32 s9, s13;
	s4 =	sadd.s32 $0x2000, s11;
	s6 =	sadd.s32 s6, s7  }
0xc: {  	s31 =	sadd.s32 $0x7000, s8;
	s7 =	smax.u32 s9, $0x1;
	s8 =	sshrl.u32 s29, $0x3  }
0xd: {  	v0 =	vimm.f32 $1.000000000e+00;
	s9 =	simm.s32 $0x1;
	s11 =	simm.s32 $0x2780;
	s12 =	sadd.s32 s12, s31  }
.LBB2_1:
0xe: {  	s13 =	simm.s32 $0x40;
	s14 =	simm.s32 $0x0  }
.LBB2_2:
0xf: {  	p0 =	sne.s32 s13, $0x1FC0;
	[tilespmem:s14+$0x2780] =	vst v0;
	s14 =	smov.u32 s13;
	s13 =	sadd.s32 $0x40, s13  }
.Ltmp0:
0x10: {  	(pc) =	sbr.rel @p0 .LBB2_2-.Ltmp0, $2  }
0x11: {  	_ =	sdelay $0x2  }
0x12: {  	s14 =	sshra.s32 s14, $0x2  }
0x13: {  	[tilespmem:s14+$0x2780] =	vst v0  }
0x14: {  	[spmem:s8], [sflag:s5] =	dma.local [hbm:s4], $0x4F0  }
0x15: {  	_ =	swait.ge [sflag:s9], $0x4F0  }
0x16: {  	[sflag:s9] =	ssyncset.done $0x0  }
0x17: {  	[sflag:s9] =	ssyncadd.s32 $0xFFFFFB10  }
0x18: {  	s13 =	simm.s32 $0x0;
	[bflag:$0x0] =	sbarrier.arrive $0xFFFF  }
0x19: {  	[tilespmem:s13], [sflag:$0x1] =	stream.linear.gather [hbm4b:s6+s13], $0x2780, $0x38;
	[tilespmem:$0x5700] =	vst v63  }
0x1a: {  	_ =	swait.ge [sflag:s9], $0x2780  }
0x1b: {  	[sflag:s9] =	ssyncset.done $0x0  }
0x1c: {  	s31 =	simm.s32 $0x0;
	[sflag:s9] =	ssyncadd.s32 $0xFFFFD880  }
0x1d: {  	[spmem:s2] =	stream.indirect.scatter.add.f32 [tilespmem:s11], [sflag:$0x1], $0x10, s31, s10, $0xb8;
	[tilespmem:$0x5700] =	vst v63  }
0x1e: {  	_ =	swait.ge [sflag:s9], $0x800  }
0x1f: {  	s13 =	simm.s32 $0x200;
	[sflag:s9] =	ssyncset.done $0x0  }
.LBB2_4:
0x20: {  	s14 =	sshra.s32 s13, $0x2;
	[sflag:s9] =	ssyncadd.s32 $0xFFFFF800;
	p0 =	sne.s32 s13, $0x9C00  }
0x21: {  	[spmem:s2] =	stream.indirect.scatter.add.f32 [tilespmem:s11], [sflag:$0x1], $0x10, s14, s10, $0xb8;
	[tilespmem:$0x5700] =	vst v63  }
.Ltmp1:
0x22: {  	_ = 	snop;
	(pc) =	sbr.rel @p0 .LBB2_4-.Ltmp1, $4  }
0x23: {  	_ = 	snop  }
0x24: {  	s13 =	sadd.s32 $0x200, s13  }
0x25: {  	_ =	swait.ge [sflag:s9], $0x800  }
0x26: {  	[sflag:s9] =	ssyncset.done $0x0  }
0x27: {  	s3 =	sadd.s32 $0x1, s3  }
0x28: {  	[sflag:s9] =	ssyncadd.s32 $0xFFFFF800;
	p0 =	sne.s32 s3, s7  }
.Ltmp2:
0x29: {  	[bflag:$0x0] =	sbarrier.arrive $0xFFFF;
	(pc) =	sbr.rel @p0 .LBB2_1-.Ltmp2, $4  }
0x2a: {  	[hbm:s12], [sflag:s5] =	dma.local [spmem:s8], $0x4F0  }
0x2b: {  	_ =	swait.ge [sflag:s9], $0x4F0  }
0x2c: {  	[sflag:s9] =	ssyncset.done $0x0  }
0x2d: {  	[sflag:s9] =	ssyncadd.s32 $0xFFFFFB10  }
0x2e: {  	_ =	sfence.sel $0x180000  }
0x2f: {  	[bflag:$0x0] =	sbarrier.arrive $0xFFFF  }
0x30: {  	p0 =	sne.s32 s1, $0x0;
	_ =	strace $0x90000047  }
0x31: {  	s0 =	sadd.s32 @!p0 $0x100000, s0;
	[bflag:$0x2] =	sbarrier.arrive $0xFFFF  }
0x32: {  	[sflag:s0] =	ssyncadd.tile.s32 @!p0 $0x1;
	_ =	shalt  }
.Lfunc_end2:
_tile_overlayer_lowered:
.L_overlay_start_2:
0x33: {  	(tag) =	ssettag $0x2  }
0x34: {  	s0 =	rddreg [dreg:$0x0];
	s2 =	stileid.u32  }
0x35: {  	s1 =	rddreg [dreg:$0x1];
	p0 =	sne.s32 s2, $0x0  }
0x36: {  	s3 =	rddreg [dreg:$0x2];
	[bflag:$0x3] =	sbarrier.arrive $0xFFFF;
	s2 =	simm.s32 @!p0 $0x1C01  }
0x37: {  	[timem:s3], [sflag:s2] =	dma.local @!p0 [hbm:s0], s1  }
0x38: {  	s0 =	simm.s32 @!p0 $0x1  }
0x39: {  	_ =	swait.ge @!p0 [sflag:s0], s1  }
0x3a: {  	s1 =	ssub.s32 @!p0 $0x0, s1;
	[sflag:s0] =	ssyncset.done @!p0 $0x0  }
0x3b: {  	[sflag:s0] =	ssyncadd.s32 @!p0 s1  }
0x3c: {  	[bflag:$0x3] =	sbarrier.arrive $0xFFFF  }
0x3d: {  	_ =	shalt  }

</sc_bundles>
